<compile_context>
chip_gen: v7x
topology: tpu7x:2x2x1
jax: 0.10.2.dev20260603
libtpu: 0.0.44.dev20260713+nightly
codegen_flags: <defaults>
</compile_context>

<pallas_src>
import functools

import jax
import jax.numpy as jnp
from jax import lax
from jax.experimental import pallas as pl
from jax.experimental.pallas import tpu as pltpu
from jax.experimental.pallas import tpu_sc as plsc

N = 10000
E = 320000
D = 128
F = 128

NC = 2
NS = 16
WIN = 80
NWIN = E // WIN
WIN_PER_TILE_A = NWIN // NS
WIN_PER_TILE_C = NWIN // (NC * NS)
NPAD = 10240
ROWS_PER_TILE = N // NS

_mesh = plsc.VectorSubcoreMesh(core_axis_name="c", subcore_axis_name="s",
                               num_cores=NC, num_subcores=NS)


_DEG_KERNEL_ARGS = dict(
    out_type=jax.ShapeDtypeStruct((2, N), jnp.float32),
    mesh=_mesh,
    scratch_types=[
        pltpu.VMEM_SHARED((NPAD,), jnp.float32),
        pltpu.VMEM((WIN_PER_TILE_A, WIN), jnp.int32),
        pltpu.VMEM((WIN,), jnp.float32),
        pltpu.VMEM((640,), jnp.float32),
        pltpu.SemaphoreType.DMA((10,)),
    ],
    compiler_params=pltpu.CompilerParams(use_tc_tiling_on_sc=False),
)


def _degree_body(e3, deg, hist, idxbuf, ones, zbuf, sems):
    c = lax.axis_index("c")
    s = lax.axis_index("s")

    @pl.loop(0, 640 // 16)
    def _fill_z(i):
        zbuf[pl.ds(i * 16, 16)] = jnp.zeros((16,), jnp.float32)

    @pl.loop(0, WIN // 16)
    def _fill_o(i):
        ones[pl.ds(i * 16, 16)] = jnp.ones((16,), jnp.float32)

    pltpu.sync_copy(zbuf, hist.at[pl.ds(s * 640, 640)])
    pltpu.sync_copy(e3.at[c, pl.ds(s * WIN_PER_TILE_A, WIN_PER_TILE_A)], idxbuf)
    plsc.subcore_barrier()

    @pl.loop(0, WIN_PER_TILE_A, step=10)
    def _scat(j):
        cps = [
            pltpu.async_copy(ones, hist.at[idxbuf.at[j + b]], sems.at[b], add=True)
            for b in range(10)
        ]
        for cp in cps:
            cp.wait()

    plsc.subcore_barrier()

    @pl.when(s < NS - 1)
    def _wb():
        pltpu.sync_copy(hist.at[pl.ds(s * 640, 640)], deg.at[c, pl.ds(s * 640, 640)])

    @pl.when(s == NS - 1)
    def _wb_last():
        pltpu.sync_copy(hist.at[pl.ds(9600, 400)], deg.at[c, pl.ds(9600, 400)])


_AGG_KERNEL_ARGS = dict(
    out_type=jax.ShapeDtypeStruct((NC, N, F), jnp.float32),
    mesh=_mesh,
    scratch_types=[
        pltpu.VMEM_SHARED((N, F), jnp.float32),
        pltpu.VMEM((WIN_PER_TILE_C, WIN), jnp.int32),
        pltpu.VMEM((WIN_PER_TILE_C, WIN), jnp.int32),
        pltpu.VMEM((3, WIN, F), jnp.float32),
        pltpu.SemaphoreType.DMA((3,)),
        pltpu.SemaphoreType.DMA((3,)),
    ],
    compiler_params=pltpu.CompilerParams(use_tc_tiling_on_sc=False),
)


def _aggregate_body(h2, e3, zeros_h, acc_out, accs, sidx, didx, rbuf, gsem, ssem):
    c = lax.axis_index("c")
    s = lax.axis_index("s")
    base = c * (NWIN // NC) + s * WIN_PER_TILE_C

    zcp = pltpu.async_copy(zeros_h,
                           accs.at[pl.ds(s * ROWS_PER_TILE, ROWS_PER_TILE)],
                           gsem.at[0])
    pltpu.sync_copy(e3.at[0, pl.ds(base, WIN_PER_TILE_C)], sidx)
    pltpu.sync_copy(e3.at[1, pl.ds(base, WIN_PER_TILE_C)], didx)
    zcp.wait()
    plsc.subcore_barrier()

    @pl.loop(0, WIN_PER_TILE_C - 2, step=3)
    def _edges(j):
        for b in range(3):
            @pl.when(j >= 3)
            def _drain_prev():
                pltpu.make_async_copy(
                    rbuf.at[b], accs.at[didx.at[j - 3 + b]], ssem.at[b]
                ).wait()

            pltpu.async_copy(h2.at[sidx.at[j + b]], rbuf.at[b], gsem.at[b])

        for b in range(3):
            pltpu.make_async_copy(
                h2.at[sidx.at[j + b]], rbuf.at[b], gsem.at[b]
            ).wait()
            pltpu.async_copy(rbuf.at[b], accs.at[didx.at[j + b]],
                             ssem.at[b], add=True)

    for b in range(3):
        pltpu.make_async_copy(
            rbuf.at[b], accs.at[didx.at[120 + b]], ssem.at[b]
        ).wait()

    for t in (2, 1):
        last = WIN_PER_TILE_C - t
        pltpu.sync_copy(h2.at[sidx.at[last]], rbuf.at[0])
        pltpu.sync_copy(rbuf.at[0], accs.at[didx.at[last]], add=True)

    plsc.subcore_barrier()
    pltpu.sync_copy(accs.at[pl.ds(s * ROWS_PER_TILE, ROWS_PER_TILE)],
                    acc_out.at[c, pl.ds(s * ROWS_PER_TILE, ROWS_PER_TILE)])


def _matmul_body(x_ref, w_ref, d_ref, o_ref):
    m = jnp.dot(x_ref[...], w_ref[...], preferred_element_type=jnp.float32)
    scale = lax.rsqrt(jnp.maximum(d_ref[...], 1.0))
    o_ref[...] = m * scale


def _scaled_matmul(x, w, deg_out):
    blk = 2000
    grid = N // blk
    return pl.pallas_call(
        _matmul_body,
        grid=(grid,),
        in_specs=[
            pl.BlockSpec((blk, D), lambda i: (i, 0)),
            pl.BlockSpec((D, F), lambda i: (0, 0)),
            pl.BlockSpec((blk, 1), lambda i: (i, 0)),
        ],
        out_specs=pl.BlockSpec((blk, F), lambda i: (i, 0)),
        out_shape=jax.ShapeDtypeStruct((N, F), jnp.float32),
    )(x, w, deg_out)


def _final_body(a_ref, d_ref, o_ref):
    a = a_ref[0] + a_ref[1]
    scale = lax.rsqrt(jnp.maximum(d_ref[...], 1.0))
    o_ref[...] = jnp.maximum(a * scale, 0.0)


def _finalize(acc, deg_in):
    blk = 2000
    grid = N // blk
    return pl.pallas_call(
        _final_body,
        grid=(grid,),
        in_specs=[
            pl.BlockSpec((2, blk, F), lambda i: (0, i, 0)),
            pl.BlockSpec((blk, 1), lambda i: (i, 0)),
        ],
        out_specs=pl.BlockSpec((blk, F), lambda i: (i, 0)),
        out_shape=jax.ShapeDtypeStruct((N, F), jnp.float32),
    )(acc, deg_in)


_degree_kernel = pl.kernel(_degree_body, **_DEG_KERNEL_ARGS)
_aggregate_kernel = pl.kernel(_aggregate_body, **_AGG_KERNEL_ARGS)


def kernel(x, edge_index, W):
    e3 = edge_index.reshape(2, NWIN, WIN)
    deg = _degree_kernel(e3)
    h2 = _scaled_matmul(x, W, deg[0].reshape(N, 1))
    zeros_h = jnp.zeros((ROWS_PER_TILE, F), jnp.float32)
    acc = _aggregate_kernel(h2, e3, zeros_h)
    return _finalize(acc, deg[1].reshape(N, 1))

# --- scband reference (transcript-rebuilt; emitter-appended) ---
"""Pipeline reference for scband-graph-conv-block-5463198400895 (READ-ONLY COPY).

The authoritative reference and input builder live on the scoring server;
editing this copy changes nothing except your own understanding.
"""

import jax, jax.numpy as jnp
import numpy as np

N = 10000
E = 320000
D = 128
F = 128

def setup_inputs(seed: int = 0) -> dict:
    key = jax.random.key(seed)
    k1, k2, k3 = jax.random.split(key, 3)
    x = jax.random.normal(k1, (N, D), dtype=jnp.float32)
    edge_index = jax.random.randint(k2, (2, E), 0, N, dtype=jnp.int32)
    # GCN kernel (glorot-uniform style scale)
    limit = np.sqrt(6.0 / (D + F)).astype(np.float32)
    W = jax.random.uniform(k3, (D, F), dtype=jnp.float32, minval=-limit, maxval=limit)
    return {"x": x, "edge_index": edge_index, "W": W}

def reference(x, edge_index, W):
    # GraphConvBlock with mode=None (GCNConv), sc=None, conv_activation=None, activation=relu.
    # GCNConv: f = A_norm @ (x @ W), symmetric degree normalization built from edge list.
    src = edge_index[0]
    dst = edge_index[1]
    ones = jnp.ones((E,), dtype=x.dtype)
    deg_out = jnp.zeros((N,), dtype=x.dtype).at[src].add(ones)
    deg_in = jnp.zeros((N,), dtype=x.dtype).at[dst].add(ones)
    deg_out = jnp.maximum(deg_out, 1.0)
    deg_in = jnp.maximum(deg_in, 1.0)
    norm = jax.lax.rsqrt(deg_out)[src] * jax.lax.rsqrt(deg_in)[dst]
    h = x @ W  # [N, F]
    msg = jnp.take(h, src, axis=0) * norm[:, None]  # gather over edges
    f = jax.ops.segment_sum(msg, dst, num_segments=N)  # scatter-add aggregation
    # sc is None -> output = f; then block activation (relu)
    out = jax.nn.relu(f)
    return out

if __name__ == "__main__":
    import jax
    _d = setup_inputs()
    print(jax.jit(kernel)(*tuple(_d.values())))

</pallas_src>

<mosaic_0001>
#map = affine_map<(d0, d1) -> (0, 0, 0)>
#map1 = affine_map<(d0, d1) -> (0, 0)>
module attributes {stable_mosaic.version = 14 : i64} {
  func.func @_degree_body(%arg0: i32, %arg1: i32, %arg2: memref<2x4000x80xi32, #tpu.memory_space<hbm>>, %arg3: memref<2x10000xf32, #tpu.memory_space<hbm>>, %arg4: memref<10240xf32, #tpu.memory_space<vmem_shared>>, %arg5: memref<250x80xi32, #tpu.memory_space<vmem>>, %arg6: memref<80xf32, #tpu.memory_space<vmem>>, %arg7: memref<640xf32, #tpu.memory_space<vmem>>, %arg8: memref<10x!tpu.dma_semaphore, #tpu.memory_space<semaphore_mem>>) attributes {dimension_semantics = [#tpu.dimension_semantics<core_parallel>, #tpu.dimension_semantics<subcore_parallel>], iteration_bounds = array<i64: 2, 16>, scalar_prefetch = 0 : i64, scratch_operands = 5 : i64, tpu.core_type = #tpu.core_type<sc_vector_subcore>, window_params = [{transform_indices = #map}, {transform_indices = #map1}]} {
    %scan3A = arith.constant 0 : i32
    %scan3A_0 = arith.constant 40 : i32
    %scan3A_1 = arith.addi %scan3A, %scan3A_0 : i32
    %scan3A_2 = arith.constant 1 : i32
    scf.for %scan3A_24 = %scan3A to %scan3A_1 step %scan3A_2  : i32 {
      %mul3A_25 = arith.constant 1 : i32
      %mul3A_26 = arith.muli %scan3A_24, %mul3A_25 : i32
      %add3A = arith.constant 0 : i32
      %add3A_27 = arith.addi %add3A, %mul3A_26 : i32
      %broadcast_in_dim3A = arith.constant 0.000000e+00 : f32
      %broadcast_in_dim3A_28 = vector.broadcast %broadcast_in_dim3A : f32 to vector<16xf32>
      %mul3A_29 = arith.constant 16 : i32
      %mul3A_30 = arith.muli %add3A_27, %mul3A_29 : i32
      %swap3A = arith.index_cast %mul3A_30 : i32 to index
      %swap3A_31 = tpu.vector_load %arg7[%swap3A] {strides = array<i32>} : memref<640xf32, #tpu.memory_space<vmem>>, vector<16xf32>,
      %swap3A_32 = vector.shape_cast %swap3A_31 : vector<16xf32> to vector<16xf32>
      %swap3A_33 = vector.shape_cast %broadcast_in_dim3A_28 : vector<16xf32> to vector<16xf32>
      tpu.vector_store %arg7[%swap3A], %swap3A_33 {strides = array<i32>} : memref<640xf32, #tpu.memory_space<vmem>>, vector<16xf32>,
    }
    %scan3A_3 = arith.constant 40 : i32
    %scan3A_4 = arith.constant 0 : i32
    %scan3A_5 = arith.constant 5 : i32
    %scan3A_6 = arith.addi %scan3A_4, %scan3A_5 : i32
    %scan3A_7 = arith.constant 1 : i32
    scf.for %scan3A_24 = %scan3A_4 to %scan3A_6 step %scan3A_7  : i32 {
      %mul3A_25 = arith.constant 1 : i32
      %mul3A_26 = arith.muli %scan3A_24, %mul3A_25 : i32
      %add3A = arith.constant 0 : i32
      %add3A_27 = arith.addi %add3A, %mul3A_26 : i32
      %broadcast_in_dim3A = arith.constant 1.000000e+00 : f32
      %broadcast_in_dim3A_28 = vector.broadcast %broadcast_in_dim3A : f32 to vector<16xf32>
      %mul3A_29 = arith.constant 16 : i32
      %mul3A_30 = arith.muli %add3A_27, %mul3A_29 : i32
      %swap3A = arith.index_cast %mul3A_30 : i32 to index
      %swap3A_31 = tpu.vector_load %arg6[%swap3A] {strides = array<i32>} : memref<80xf32, #tpu.memory_space<vmem>>, vector<16xf32>,
      %swap3A_32 = vector.shape_cast %swap3A_31 : vector<16xf32> to vector<16xf32>
      %swap3A_33 = vector.shape_cast %broadcast_in_dim3A_28 : vector<16xf32> to vector<16xf32>
      tpu.vector_store %arg6[%swap3A], %swap3A_33 {strides = array<i32>} : memref<80xf32, #tpu.memory_space<vmem>>, vector<16xf32>,
    }
    %scan3A_8 = arith.constant 5 : i32
    %mul3A = arith.constant 640 : i32
    %mul3A_9 = arith.muli %arg1, %mul3A : i32
    "tpu.region"() ({
      %run_scoped3A = tpu.sem_alloc : memref<!tpu.dma_semaphore, #tpu.memory_space<semaphore_mem>>
      %dma_start3A = tpu.memref_slice %arg4[%mul3A_9] : memref<10240xf32, #tpu.memory_space<vmem_shared>> -> memref<640xf32, #tpu.memory_space<vmem_shared>>
      %dma_start3A_24 = tpu.memref_slice %arg4[%mul3A_9] : memref<10240xf32, #tpu.memory_space<vmem_shared>> -> memref<640xf32, #tpu.memory_space<vmem_shared>>
      tpu.enqueue_dma source(%arg7 : memref<640xf32, #tpu.memory_space<vmem>>) target(%dma_start3A_24 : memref<640xf32, #tpu.memory_space<vmem_shared>>) target_semaphore(%run_scoped3A : memref<!tpu.dma_semaphore, #tpu.memory_space<semaphore_mem>>)
      %dma_wait3A = tpu.memref_slice %arg4[%mul3A_9] : memref<10240xf32, #tpu.memory_space<vmem_shared>> -> memref<640xf32, #tpu.memory_space<vmem_shared>>
      %dma_wait3A_25 = tpu.memref_slice %arg4[%mul3A_9] : memref<10240xf32, #tpu.memory_space<vmem_shared>> -> memref<640xf32, #tpu.memory_space<vmem_shared>>
      tpu.wait_dma2 semaphore(%run_scoped3A : memref<!tpu.dma_semaphore, #tpu.memory_space<semaphore_mem>>) src(%arg7 : memref<640xf32, #tpu.memory_space<vmem>>) dst(%dma_wait3A_25 : memref<640xf32, #tpu.memory_space<vmem_shared>>)
      tpu.yield
    }) : () -> ()
    %mul3A_10 = arith.constant 250 : i32
    %mul3A_11 = arith.muli %arg1, %mul3A_10 : i32
    "tpu.region"() ({
      %run_scoped3A = tpu.sem_alloc : memref<!tpu.dma_semaphore, #tpu.memory_space<semaphore_mem>>
      %dma_start3A = arith.constant 0 : i32
      %dma_start3A_24 = tpu.memref_slice %arg2[%arg0, %mul3A_11, %dma_start3A] : memref<2x4000x80xi32, #tpu.memory_space<hbm>> -> memref<1x250x80xi32, #tpu.memory_space<hbm>>
      %dma_start3A_25 = tpu.memref_squeeze %dma_start3A_24 : memref<1x250x80xi32, #tpu.memory_space<hbm>> -> memref<250x80xi32, #tpu.memory_space<hbm>>
      %dma_start3A_26 = arith.constant 0 : i32
      %dma_start3A_27 = tpu.memref_slice %arg2[%arg0, %mul3A_11, %dma_start3A_26] : memref<2x4000x80xi32, #tpu.memory_space<hbm>> -> memref<1x250x80xi32, #tpu.memory_space<hbm>>
      %dma_start3A_28 = tpu.memref_squeeze %dma_start3A_27 : memref<1x250x80xi32, #tpu.memory_space<hbm>> -> memref<250x80xi32, #tpu.memory_space<hbm>>
      tpu.enqueue_dma source(%dma_start3A_28 : memref<250x80xi32, #tpu.memory_space<hbm>>) target(%arg5 : memref<250x80xi32, #tpu.memory_space<vmem>>) target_semaphore(%run_scoped3A : memref<!tpu.dma_semaphore, #tpu.memory_space<semaphore_mem>>)
      %dma_wait3A = arith.constant 0 : i32
      %dma_wait3A_29 = tpu.memref_slice %arg2[%arg0, %mul3A_11, %dma_wait3A] : memref<2x4000x80xi32, #tpu.memory_space<hbm>> -> memref<1x250x80xi32, #tpu.memory_space<hbm>>
      %dma_wait3A_30 = tpu.memref_squeeze %dma_wait3A_29 : memref<1x250x80xi32, #tpu.memory_space<hbm>> -> memref<250x80xi32, #tpu.memory_space<hbm>>
      %dma_wait3A_31 = arith.constant 0 : i32
      %dma_wait3A_32 = tpu.memref_slice %arg2[%arg0, %mul3A_11, %dma_wait3A_31] : memref<2x4000x80xi32, #tpu.memory_space<hbm>> -> memref<1x250x80xi32, #tpu.memory_space<hbm>>
      %dma_wait3A_33 = tpu.memref_squeeze %dma_wait3A_32 : memref<1x250x80xi32, #tpu.memory_space<hbm>> -> memref<250x80xi32, #tpu.memory_space<hbm>>
      tpu.wait_dma2 semaphore(%run_scoped3A : memref<!tpu.dma_semaphore, #tpu.memory_space<semaphore_mem>>) src(%dma_wait3A_33 : memref<250x80xi32, #tpu.memory_space<hbm>>) dst(%arg5 : memref<250x80xi32, #tpu.memory_space<vmem>>)
      tpu.yield
    }) : () -> ()
    %barrier3A = arith.constant 0 : index
    tpu.barrier barrier_id(%barrier3A)
    %scan3A_12 = arith.constant 0 : i32
    %scan3A_13 = arith.constant 25 : i32
    %scan3A_14 = arith.addi %scan3A_12, %scan3A_13 : i32
    %scan3A_15 = arith.constant 1 : i32
    scf.for %scan3A_24 = %scan3A_12 to %scan3A_14 step %scan3A_15  : i32 {
      %mul3A_25 = arith.constant 10 : i32
      %mul3A_26 = arith.muli %scan3A_24, %mul3A_25 : i32
      %add3A = arith.constant 0 : i32
      %add3A_27 = arith.addi %add3A, %mul3A_26 : i32
      %add3A_28 = arith.constant 0 : i32
      %add3A_29 = arith.addi %add3A_27, %add3A_28 : i32
      %dma_start3A = arith.constant 0 : i32
      %dma_start3A_30 = arith.constant 0 : i32
      %dma_start3A_31 = tpu.memref_slice %arg5[%add3A_29, %dma_start3A_30] : memref<250x80xi32, #tpu.memory_space<vmem>> -> memref<1x80xi32, #tpu.memory_space<vmem>>
      %dma_start3A_32 = tpu.memref_squeeze %dma_start3A_31 : memref<1x80xi32, #tpu.memory_space<vmem>> -> memref<80xi32, #tpu.memory_space<vmem>>
      %dma_start3A_33 = arith.constant 0 : i32
      %dma_start3A_34 = tpu.memref_slice %arg4[%dma_start3A_33] : memref<10240xf32, #tpu.memory_space<vmem_shared>> -> memref<10240xf32, #tpu.memory_space<vmem_shared>>
      %dma_start3A_35 = tpu.memref_slice %arg8[%dma_start3A] : memref<10x!tpu.dma_semaphore, #tpu.memory_space<semaphore_mem>> -> memref<1x!tpu.dma_semaphore, #tpu.memory_space<semaphore_mem>>
      %dma_start3A_36 = tpu.memref_squeeze %dma_start3A_35 : memref<1x!tpu.dma_semaphore, #tpu.memory_space<semaphore_mem>> -> memref<!tpu.dma_semaphore, #tpu.memory_space<semaphore_mem>>
      tpu.enqueue_indirect_dma source(%arg6 : memref<80xf32, #tpu.memory_space<vmem>>) target(%dma_start3A_34 : memref<10240xf32, #tpu.memory_space<vmem_shared>>) offsets(%dma_start3A_32 : memref<80xi32, #tpu.memory_space<vmem>>) semaphore(%dma_start3A_36 : memref<!tpu.dma_semaphore, #tpu.memory_space<semaphore_mem>>) {add = true}
      %add3A_37 = arith.constant 1 : i32
      %add3A_38 = arith.addi %add3A_27, %add3A_37 : i32
      %dma_start3A_39 = arith.constant 1 : i32
      %dma_start3A_40 = arith.constant 0 : i32
      %dma_start3A_41 = tpu.memref_slice %arg5[%add3A_38, %dma_start3A_40] : memref<250x80xi32, #tpu.memory_space<vmem>> -> memref<1x80xi32, #tpu.memory_space<vmem>>
      %dma_start3A_42 = tpu.memref_squeeze %dma_start3A_41 : memref<1x80xi32, #tpu.memory_space<vmem>> -> memref<80xi32, #tpu.memory_space<vmem>>
      %dma_start3A_43 = arith.constant 0 : i32
      %dma_start3A_44 = tpu.memref_slice %arg4[%dma_start3A_43] : memref<10240xf32, #tpu.memory_space<vmem_shared>> -> memref<10240xf32, #tpu.memory_space<vmem_shared>>
      %dma_start3A_45 = tpu.memref_slice %arg8[%dma_start3A_39] : memref<10x!tpu.dma_semaphore, #tpu.memory_space<semaphore_mem>> -> memref<1x!tpu.dma_semaphore, #tpu.memory_space<semaphore_mem>>
      %dma_start3A_46 = tpu.memref_squeeze %dma_start3A_45 : memref<1x!tpu.dma_semaphore, #tpu.memory_space<semaphore_mem>> -> memref<!tpu.dma_semaphore, #tpu.memory_space<semaphore_mem>>
      tpu.enqueue_indirect_dma source(%arg6 : memref<80xf32, #tpu.memory_space<vmem>>) target(%dma_start3A_44 : memref<10240xf32, #tpu.memory_space<vmem_shared>>) offsets(%dma_start3A_42 : memref<80xi32, #tpu.memory_space<vmem>>) semaphore(%dma_start3A_46 : memref<!tpu.dma_semaphore, #tpu.memory_space<semaphore_mem>>) {add = true}
      %add3A_47 = arith.constant 2 : i32
      %add3A_48 = arith.addi %add3A_27, %add3A_47 : i32
      %dma_start3A_49 = arith.constant 2 : i32
      %dma_start3A_50 = arith.constant 0 : i32
      %dma_start3A_51 = tpu.memref_slice %arg5[%add3A_48, %dma_start3A_50] : memref<250x80xi32, #tpu.memory_space<vmem>> -> memref<1x80xi32, #tpu.memory_space<vmem>>
      %dma_start3A_52 = tpu.memref_squeeze %dma_start3A_51 : memref<1x80xi32, #tpu.memory_space<vmem>> -> memref<80xi32, #tpu.memory_space<vmem>>
      %dma_start3A_53 = arith.constant 0 : i32
      %dma_start3A_54 = tpu.memref_slice %arg4[%dma_start3A_53] : memref<10240xf32, #tpu.memory_space<vmem_shared>> -> memref<10240xf32, #tpu.memory_space<vmem_shared>>
      %dma_start3A_55 = tpu.memref_slice %arg8[%dma_start3A_49] : memref<10x!tpu.dma_semaphore, #tpu.memory_space<semaphore_mem>> -> memref<1x!tpu.dma_semaphore, #tpu.memory_space<semaphore_mem>>
      %dma_start3A_56 = tpu.memref_squeeze %dma_start3A_55 : memref<1x!tpu.dma_semaphore, #tpu.memory_space<semaphore_mem>> -> memref<!tpu.dma_semaphore, #tpu.memory_space<semaphore_mem>>
      tpu.enqueue_indirect_dma source(%arg6 : memref<80xf32, #tpu.memory_space<vmem>>) target(%dma_start3A_54 : memref<10240xf32, #tpu.memory_space<vmem_shared>>) offsets(%dma_start3A_52 : memref<80xi32, #tpu.memory_space<vmem>>) semaphore(%dma_start3A_56 : memref<!tpu.dma_semaphore, #tpu.memory_space<semaphore_mem>>) {add = true}
      %add3A_57 = arith.constant 3 : i32
      %add3A_58 = arith.addi %add3A_27, %add3A_57 : i32
      %dma_start3A_59 = arith.constant 3 : i32
      %dma_start3A_60 = arith.constant 0 : i32
      %dma_start3A_61 = tpu.memref_slice %arg5[%add3A_58, %dma_start3A_60] : memref<250x80xi32, #tpu.memory_space<vmem>> -> memref<1x80xi32, #tpu.memory_space<vmem>>
      %dma_start3A_62 = tpu.memref_squeeze %dma_start3A_61 : memref<1x80xi32, #tpu.memory_space<vmem>> -> memref<80xi32, #tpu.memory_space<vmem>>
      %dma_start3A_63 = arith.constant 0 : i32
      %dma_start3A_64 = tpu.memref_slice %arg4[%dma_start3A_63] : memref<10240xf32, #tpu.memory_space<vmem_shared>> -> memref<10240xf32, #tpu.memory_space<vmem_shared>>
      %dma_start3A_65 = tpu.memref_slice %arg8[%dma_start3A_59] : memref<10x!tpu.dma_semaphore, #tpu.memory_space<semaphore_mem>> -> memref<1x!tpu.dma_semaphore, #tpu.memory_space<semaphore_mem>>
      %dma_start3A_66 = tpu.memref_squeeze %dma_start3A_65 : memref<1x!tpu.dma_semaphore, #tpu.memory_space<semaphore_mem>> -> memref<!tpu.dma_semaphore, #tpu.memory_space<semaphore_mem>>
      tpu.enqueue_indirect_dma source(%arg6 : memref<80xf32, #tpu.memory_space<vmem>>) target(%dma_start3A_64 : memref<10240xf32, #tpu.memory_space<vmem_shared>>) offsets(%dma_start3A_62 : memref<80xi32, #tpu.memory_space<vmem>>) semaphore(%dma_start3A_66 : memref<!tpu.dma_semaphore, #tpu.memory_space<semaphore_mem>>) {add = true}
      %add3A_67 = arith.constant 4 : i32
      %add3A_68 = arith.addi %add3A_27, %add3A_67 : i32
      %dma_start3A_69 = arith.constant 4 : i32
      %dma_start3A_70 = arith.constant 0 : i32
      %dma_start3A_71 = tpu.memref_slice %arg5[%add3A_68, %dma_start3A_70] : memref<250x80xi32, #tpu.memory_space<vmem>> -> memref<1x80xi32, #tpu.memory_space<vmem>>
      %dma_start3A_72 = tpu.memref_squeeze %dma_start3A_71 : memref<1x80xi32, #tpu.memory_space<vmem>> -> memref<80xi32, #tpu.memory_space<vmem>>
      %dma_start3A_73 = arith.constant 0 : i32
      %dma_start3A_74 = tpu.memref_slice %arg4[%dma_start3A_73] : memref<10240xf32, #tpu.memory_space<vmem_shared>> -> memref<10240xf32, #tpu.memory_space<vmem_shared>>
      %dma_start3A_75 = tpu.memref_slice %arg8[%dma_start3A_69] : memref<10x!tpu.dma_semaphore, #tpu.memory_space<semaphore_mem>> -> memref<1x!tpu.dma_semaphore, #tpu.memory_space<semaphore_mem>>
      %dma_start3A_76 = tpu.memref_squeeze %dma_start3A_75 : memref<1x!tpu.dma_semaphore, #tpu.memory_space<semaphore_mem>> -> memref<!tpu.dma_semaphore, #tpu.memory_space<semaphore_mem>>
      tpu.enqueue_indirect_dma source(%arg6 : memref<80xf32, #tpu.memory_space<vmem>>) target(%dma_start3A_74 : memref<10240xf32, #tpu.memory_space<vmem_shared>>) offsets(%dma_start3A_72 : memref<80xi32, #tpu.memory_space<vmem>>) semaphore(%dma_start3A_76 : memref<!tpu.dma_semaphore, #tpu.memory_space<semaphore_mem>>) {add = true}
      %add3A_77 = arith.constant 5 : i32
      %add3A_78 = arith.addi %add3A_27, %add3A_77 : i32
      %dma_start3A_79 = arith.constant 5 : i32
      %dma_start3A_80 = arith.constant 0 : i32
      %dma_start3A_81 = tpu.memref_slice %arg5[%add3A_78, %dma_start3A_80] : memref<250x80xi32, #tpu.memory_space<vmem>> -> memref<1x80xi32, #tpu.memory_space<vmem>>
      %dma_start3A_82 = tpu.memref_squeeze %dma_start3A_81 : memref<1x80xi32, #tpu.memory_space<vmem>> -> memref<80xi32, #tpu.memory_space<vmem>>
      %dma_start3A_83 = arith.constant 0 : i32
      %dma_start3A_84 = tpu.memref_slice %arg4[%dma_start3A_83] : memref<10240xf32, #tpu.memory_space<vmem_shared>> -> memref<10240xf32, #tpu.memory_space<vmem_shared>>
      %dma_start3A_85 = tpu.memref_slice %arg8[%dma_start3A_79] : memref<10x!tpu.dma_semaphore, #tpu.memory_space<semaphore_mem>> -> memref<1x!tpu.dma_semaphore, #tpu.memory_space<semaphore_mem>>
      %dma_start3A_86 = tpu.memref_squeeze %dma_start3A_85 : memref<1x!tpu.dma_semaphore, #tpu.memory_space<semaphore_mem>> -> memref<!tpu.dma_semaphore, #tpu.memory_space<semaphore_mem>>
      tpu.enqueue_indirect_dma source(%arg6 : memref<80xf32, #tpu.memory_space<vmem>>) target(%dma_start3A_84 : memref<10240xf32, #tpu.memory_space<vmem_shared>>) offsets(%dma_start3A_82 : memref<80xi32, #tpu.memory_space<vmem>>) semaphore(%dma_start3A_86 : memref<!tpu.dma_semaphore, #tpu.memory_space<semaphore_mem>>) {add = true}
      %add3A_87 = arith.constant 6 : i32
      %add3A_88 = arith.addi %add3A_27, %add3A_87 : i32
      %dma_start3A_89 = arith.constant 6 : i32
      %dma_start3A_90 = arith.constant 0 : i32
      %dma_start3A_91 = tpu.memref_slice %arg5[%add3A_88, %dma_start3A_90] : memref<250x80xi32, #tpu.memory_space<vmem>> -> memref<1x80xi32, #tpu.memory_space<vmem>>
      %dma_start3A_92 = tpu.memref_squeeze %dma_start3A_91 : memref<1x80xi32, #tpu.memory_space<vmem>> -> memref<80xi32, #tpu.memory_space<vmem>>
      %dma_start3A_93 = arith.constant 0 : i32
      %dma_start3A_94 = tpu.memref_slice %arg4[%dma_start3A_93] : memref<10240xf32, #tpu.memory_space<vmem_shared>> -> memref<10240xf32, #tpu.memory_space<vmem_shared>>
      %dma_start3A_95 = tpu.memref_slice %arg8[%dma_start3A_89] : memref<10x!tpu.dma_semaphore, #tpu.memory_space<semaphore_mem>> -> memref<1x!tpu.dma_semaphore, #tpu.memory_space<semaphore_mem>>
      %dma_start3A_96 = tpu.memref_squeeze %dma_start3A_95 : memref<1x!tpu.dma_semaphore, #tpu.memory_space<semaphore_mem>> -> memref<!tpu.dma_semaphore, #tpu.memory_space<semaphore_mem>>
      tpu.enqueue_indirect_dma source(%arg6 : memref<80xf32, #tpu.memory_space<vmem>>) target(%dma_start3A_94 : memref<10240xf32, #tpu.memory_space<vmem_shared>>) offsets(%dma_start3A_92 : memref<80xi32, #tpu.memory_space<vmem>>) semaphore(%dma_start3A_96 : memref<!tpu.dma_semaphore, #tpu.memory_space<semaphore_mem>>) {add = true}
      %add3A_97 = arith.constant 7 : i32
      %add3A_98 = arith.addi %add3A_27, %add3A_97 : i32
      %dma_start3A_99 = arith.constant 7 : i32
      %dma_start3A_100 = arith.constant 0 : i32
      %dma_start3A_101 = tpu.memref_slice %arg5[%add3A_98, %dma_start3A_100] : memref<250x80xi32, #tpu.memory_space<vmem>> -> memref<1x80xi32, #tpu.memory_space<vmem>>
      %dma_start3A_102 = tpu.memref_squeeze %dma_start3A_101 : memref<1x80xi32, #tpu.memory_space<vmem>> -> memref<80xi32, #tpu.memory_space<vmem>>
      %dma_start3A_103 = arith.constant 0 : i32
      %dma_start3A_104 = tpu.memref_slice %arg4[%dma_start3A_103] : memref<10240xf32, #tpu.memory_space<vmem_shared>> -> memref<10240xf32, #tpu.memory_space<vmem_shared>>
      %dma_start3A_105 = tpu.memref_slice %arg8[%dma_start3A_99] : memref<10x!tpu.dma_semaphore, #tpu.memory_space<semaphore_mem>> -> memref<1x!tpu.dma_semaphore, #tpu.memory_space<semaphore_mem>>
      %dma_start3A_106 = tpu.memref_squeeze %dma_start3A_105 : memref<1x!tpu.dma_semaphore, #tpu.memory_space<semaphore_mem>> -> memref<!tpu.dma_semaphore, #tpu.memory_space<semaphore_mem>>
      tpu.enqueue_indirect_dma source(%arg6 : memref<80xf32, #tpu.memory_space<vmem>>) target(%dma_start3A_104 : memref<10240xf32, #tpu.memory_space<vmem_shared>>) offsets(%dma_start3A_102 : memref<80xi32, #tpu.memory_space<vmem>>) semaphore(%dma_start3A_106 : memref<!tpu.dma_semaphore, #tpu.memory_space<semaphore_mem>>) {add = true}
      %add3A_107 = arith.constant 8 : i32
      %add3A_108 = arith.addi %add3A_27, %add3A_107 : i32
      %dma_start3A_109 = arith.constant 8 : i32
      %dma_start3A_110 = arith.constant 0 : i32
      %dma_start3A_111 = tpu.memref_slice %arg5[%add3A_108, %dma_start3A_110] : memref<250x80xi32, #tpu.memory_space<vmem>> -> memref<1x80xi32, #tpu.memory_space<vmem>>
      %dma_start3A_112 = tpu.memref_squeeze %dma_start3A_111 : memref<1x80xi32, #tpu.memory_space<vmem>> -> memref<80xi32, #tpu.memory_space<vmem>>
      %dma_start3A_113 = arith.constant 0 : i32
      %dma_start3A_114 = tpu.memref_slice %arg4[%dma_start3A_113] : memref<10240xf32, #tpu.memory_space<vmem_shared>> -> memref<10240xf32, #tpu.memory_space<vmem_shared>>
      %dma_start3A_115 = tpu.memref_slice %arg8[%dma_start3A_109] : memref<10x!tpu.dma_semaphore, #tpu.memory_space<semaphore_mem>> -> memref<1x!tpu.dma_semaphore, #tpu.memory_space<semaphore_mem>>
      %dma_start3A_116 = tpu.memref_squeeze %dma_start3A_115 : memref<1x!tpu.dma_semaphore, #tpu.memory_space<semaphore_mem>> -> memref<!tpu.dma_semaphore, #tpu.memory_space<semaphore_mem>>
      tpu.enqueue_indirect_dma source(%arg6 : memref<80xf32, #tpu.memory_space<vmem>>) target(%dma_start3A_114 : memref<10240xf32, #tpu.memory_space<vmem_shared>>) offsets(%dma_start3A_112 : memref<80xi32, #tpu.memory_space<vmem>>) semaphore(%dma_start3A_116 : memref<!tpu.dma_semaphore, #tpu.memory_space<semaphore_mem>>) {add = true}
      %add3A_117 = arith.constant 9 : i32
      %add3A_118 = arith.addi %add3A_27, %add3A_117 : i32
      %dma_start3A_119 = arith.constant 9 : i32
      %dma_start3A_120 = arith.constant 0 : i32
      %dma_start3A_121 = tpu.memref_slice %arg5[%add3A_118, %dma_start3A_120] : memref<250x80xi32, #tpu.memory_space<vmem>> -> memref<1x80xi32, #tpu.memory_space<vmem>>
      %dma_start3A_122 = tpu.memref_squeeze %dma_start3A_121 : memref<1x80xi32, #tpu.memory_space<vmem>> -> memref<80xi32, #tpu.memory_space<vmem>>
      %dma_start3A_123 = arith.constant 0 : i32
      %dma_start3A_124 = tpu.memref_slice %arg4[%dma_start3A_123] : memref<10240xf32, #tpu.memory_space<vmem_shared>> -> memref<10240xf32, #tpu.memory_space<vmem_shared>>
      %dma_start3A_125 = tpu.memref_slice %arg8[%dma_start3A_119] : memref<10x!tpu.dma_semaphore, #tpu.memory_space<semaphore_mem>> -> memref<1x!tpu.dma_semaphore, #tpu.memory_space<semaphore_mem>>
      %dma_start3A_126 = tpu.memref_squeeze %dma_start3A_125 : memref<1x!tpu.dma_semaphore, #tpu.memory_space<semaphore_mem>> -> memref<!tpu.dma_semaphore, #tpu.memory_space<semaphore_mem>>
      tpu.enqueue_indirect_dma source(%arg6 : memref<80xf32, #tpu.memory_space<vmem>>) target(%dma_start3A_124 : memref<10240xf32, #tpu.memory_space<vmem_shared>>) offsets(%dma_start3A_122 : memref<80xi32, #tpu.memory_space<vmem>>) semaphore(%dma_start3A_126 : memref<!tpu.dma_semaphore, #tpu.memory_space<semaphore_mem>>) {add = true}
      %dma_wait3A = arith.constant 0 : i32
      %dma_wait3A_127 = arith.constant 0 : i32
      %dma_wait3A_128 = tpu.memref_slice %arg5[%add3A_29, %dma_wait3A_127] : memref<250x80xi32, #tpu.memory_space<vmem>> -> memref<1x80xi32, #tpu.memory_space<vmem>>
      %dma_wait3A_129 = tpu.memref_squeeze %dma_wait3A_128 : memref<1x80xi32, #tpu.memory_space<vmem>> -> memref<80xi32, #tpu.memory_space<vmem>>
      %dma_wait3A_130 = arith.constant 0 : i32
      %dma_wait3A_131 = tpu.memref_slice %arg4[%dma_wait3A_130] : memref<10240xf32, #tpu.memory_space<vmem_shared>> -> memref<10240xf32, #tpu.memory_space<vmem_shared>>
      %dma_wait3A_132 = tpu.memref_slice %arg8[%dma_wait3A] : memref<10x!tpu.dma_semaphore, #tpu.memory_space<semaphore_mem>> -> memref<1x!tpu.dma_semaphore, #tpu.memory_space<semaphore_mem>>
      %dma_wait3A_133 = tpu.memref_squeeze %dma_wait3A_132 : memref<1x!tpu.dma_semaphore, #tpu.memory_space<semaphore_mem>> -> memref<!tpu.dma_semaphore, #tpu.memory_space<semaphore_mem>>
      tpu.wait_indirect_dma semaphore(%dma_wait3A_133 : memref<!tpu.dma_semaphore, #tpu.memory_space<semaphore_mem>>) src(%arg6 : memref<80xf32, #tpu.memory_space<vmem>>) dst(%dma_wait3A_131 : memref<10240xf32, #tpu.memory_space<vmem_shared>>)
      %dma_wait3A_134 = arith.constant 1 : i32
      %dma_wait3A_135 = arith.constant 0 : i32
      %dma_wait3A_136 = tpu.memref_slice %arg5[%add3A_38, %dma_wait3A_135] : memref<250x80xi32, #tpu.memory_space<vmem>> -> memref<1x80xi32, #tpu.memory_space<vmem>>
      %dma_wait3A_137 = tpu.memref_squeeze %dma_wait3A_136 : memref<1x80xi32, #tpu.memory_space<vmem>> -> memref<80xi32, #tpu.memory_space<vmem>>
      %dma_wait3A_138 = arith.constant 0 : i32
      %dma_wait3A_139 = tpu.memref_slice %arg4[%dma_wait3A_138] : memref<10240xf32, #tpu.memory_space<vmem_shared>> -> memref<10240xf32, #tpu.memory_space<vmem_shared>>
      %dma_wait3A_140 = tpu.memref_slice %arg8[%dma_wait3A_134] : memref<10x!tpu.dma_semaphore, #tpu.memory_space<semaphore_mem>> -> memref<1x!tpu.dma_semaphore, #tpu.memory_space<semaphore_mem>>
      %dma_wait3A_141 = tpu.memref_squeeze %dma_wait3A_140 : memref<1x!tpu.dma_semaphore, #tpu.memory_space<semaphore_mem>> -> memref<!tpu.dma_semaphore, #tpu.memory_space<semaphore_mem>>
      tpu.wait_indirect_dma semaphore(%dma_wait3A_141 : memref<!tpu.dma_semaphore, #tpu.memory_space<semaphore_mem>>) src(%arg6 : memref<80xf32, #tpu.memory_space<vmem>>) dst(%dma_wait3A_139 : memref<10240xf32, #tpu.memory_space<vmem_shared>>)
      %dma_wait3A_142 = arith.constant 2 : i32
      %dma_wait3A_143 = arith.constant 0 : i32
      %dma_wait3A_144 = tpu.memref_slice %arg5[%add3A_48, %dma_wait3A_143] : memref<250x80xi32, #tpu.memory_space<vmem>> -> memref<1x80xi32, #tpu.memory_space<vmem>>
      %dma_wait3A_145 = tpu.memref_squeeze %dma_wait3A_144 : memref<1x80xi32, #tpu.memory_space<vmem>> -> memref<80xi32, #tpu.memory_space<vmem>>
      %dma_wait3A_146 = arith.constant 0 : i32
      %dma_wait3A_147 = tpu.memref_slice %arg4[%dma_wait3A_146] : memref<10240xf32, #tpu.memory_space<vmem_shared>> -> memref<10240xf32, #tpu.memory_space<vmem_shared>>
      %dma_wait3A_148 = tpu.memref_slice %arg8[%dma_wait3A_142] : memref<10x!tpu.dma_semaphore, #tpu.memory_space<semaphore_mem>> -> memref<1x!tpu.dma_semaphore, #tpu.memory_space<semaphore_mem>>
      %dma_wait3A_149 = tpu.memref_squeeze %dma_wait3A_148 : memref<1x!tpu.dma_semaphore, #tpu.memory_space<semaphore_mem>> -> memref<!tpu.dma_semaphore, #tpu.memory_space<semaphore_mem>>
      tpu.wait_indirect_dma semaphore(%dma_wait3A_149 : memref<!tpu.dma_semaphore, #tpu.memory_space<semaphore_mem>>) src(%arg6 : memref<80xf32, #tpu.memory_space<vmem>>) dst(%dma_wait3A_147 : memref<10240xf32, #tpu.memory_space<vmem_shared>>)
      %dma_wait3A_150 = arith.constant 3 : i32
      %dma_wait3A_151 = arith.constant 0 : i32
      %dma_wait3A_152 = tpu.memref_slice %arg5[%add3A_58, %dma_wait3A_151] : memref<250x80xi32, #tpu.memory_space<vmem>> -> memref<1x80xi32, #tpu.memory_space<vmem>>
      %dma_wait3A_153 = tpu.memref_squeeze %dma_wait3A_152 : memref<1x80xi32, #tpu.memory_space<vmem>> -> memref<80xi32, #tpu.memory_space<vmem>>
      %dma_wait3A_154 = arith.constant 0 : i32
      %dma_wait3A_155 = tpu.memref_slice %arg4[%dma_wait3A_154] : memref<10240xf32, #tpu.memory_space<vmem_shared>> -> memref<10240xf32, #tpu.memory_space<vmem_shared>>
      %dma_wait3A_156 = tpu.memref_slice %arg8[%dma_wait3A_150] : memref<10x!tpu.dma_semaphore, #tpu.memory_space<semaphore_mem>> -> memref<1x!tpu.dma_semaphore, #tpu.memory_space<semaphore_mem>>
      %dma_wait3A_157 = tpu.memref_squeeze %dma_wait3A_156 : memref<1x!tpu.dma_semaphore, #tpu.memory_space<semaphore_mem>> -> memref<!tpu.dma_semaphore, #tpu.memory_space<semaphore_mem>>
      tpu.wait_indirect_dma semaphore(%dma_wait3A_157 : memref<!tpu.dma_semaphore, #tpu.memory_space<semaphore_mem>>) src(%arg6 : memref<80xf32, #tpu.memory_space<vmem>>) dst(%dma_wait3A_155 : memref<10240xf32, #tpu.memory_space<vmem_shared>>)
      %dma_wait3A_158 = arith.constant 4 : i32
      %dma_wait3A_159 = arith.constant 0 : i32
      %dma_wait3A_160 = tpu.memref_slice %arg5[%add3A_68, %dma_wait3A_159] : memref<250x80xi32, #tpu.memory_space<vmem>> -> memref<1x80xi32, #tpu.memory_space<vmem>>
      %dma_wait3A_161 = tpu.memref_squeeze %dma_wait3A_160 : memref<1x80xi32, #tpu.memory_space<vmem>> -> memref<80xi32, #tpu.memory_space<vmem>>
      %dma_wait3A_162 = arith.constant 0 : i32
      %dma_wait3A_163 = tpu.memref_slice %arg4[%dma_wait3A_162] : memref<10240xf32, #tpu.memory_space<vmem_shared>> -> memref<10240xf32, #tpu.memory_space<vmem_shared>>
      %dma_wait3A_164 = tpu.memref_slice %arg8[%dma_wait3A_158] : memref<10x!tpu.dma_semaphore, #tpu.memory_space<semaphore_mem>> -> memref<1x!tpu.dma_semaphore, #tpu.memory_space<semaphore_mem>>
      %dma_wait3A_165 = tpu.memref_squeeze %dma_wait3A_164 : memref<1x!tpu.dma_semaphore, #tpu.memory_space<semaphore_mem>> -> memref<!tpu.dma_semaphore, #tpu.memory_space<semaphore_mem>>
      tpu.wait_indirect_dma semaphore(%dma_wait3A_165 : memref<!tpu.dma_semaphore, #tpu.memory_space<semaphore_mem>>) src(%arg6 : memref<80xf32, #tpu.memory_space<vmem>>) dst(%dma_wait3A_163 : memref<10240xf32, #tpu.memory_space<vmem_shared>>)
      %dma_wait3A_166 = arith.constant 5 : i32
      %dma_wait3A_167 = arith.constant 0 : i32
      %dma_wait3A_168 = tpu.memref_slice %arg5[%add3A_78, %dma_wait3A_167] : memref<250x80xi32, #tpu.memory_space<vmem>> -> memref<1x80xi32, #tpu.memory_space<vmem>>
      %dma_wait3A_169 = tpu.memref_squeeze %dma_wait3A_168 : memref<1x80xi32, #tpu.memory_space<vmem>> -> memref<80xi32, #tpu.memory_space<vmem>>
      %dma_wait3A_170 = arith.constant 0 : i32
      %dma_wait3A_171 = tpu.memref_slice %arg4[%dma_wait3A_170] : memref<10240xf32, #tpu.memory_space<vmem_shared>> -> memref<10240xf32, #tpu.memory_space<vmem_shared>>
      %dma_wait3A_172 = tpu.memref_slice %arg8[%dma_wait3A_166] : memref<10x!tpu.dma_semaphore, #tpu.memory_space<semaphore_mem>> -> memref<1x!tpu.dma_semaphore, #tpu.memory_space<semaphore_mem>>
      %dma_wait3A_173 = tpu.memref_squeeze %dma_wait3A_172 : memref<1x!tpu.dma_semaphore, #tpu.memory_space<semaphore_mem>> -> memref<!tpu.dma_semaphore, #tpu.memory_space<semaphore_mem>>
      tpu.wait_indirect_dma semaphore(%dma_wait3A_173 : memref<!tpu.dma_semaphore, #tpu.memory_space<semaphore_mem>>) src(%arg6 : memref<80xf32, #tpu.memory_space<vmem>>) dst(%dma_wait3A_171 : memref<10240xf32, #tpu.memory_space<vmem_shared>>)
      %dma_wait3A_174 = arith.constant 6 : i32
      %dma_wait3A_175 = arith.constant 0 : i32
      %dma_wait3A_176 = tpu.memref_slice %arg5[%add3A_88, %dma_wait3A_175] : memref<250x80xi32, #tpu.memory_space<vmem>> -> memref<1x80xi32, #tpu.memory_space<vmem>>
      %dma_wait3A_177 = tpu.memref_squeeze %dma_wait3A_176 : memref<1x80xi32, #tpu.memory_space<vmem>> -> memref<80xi32, #tpu.memory_space<vmem>>
      %dma_wait3A_178 = arith.constant 0 : i32
      %dma_wait3A_179 = tpu.memref_slice %arg4[%dma_wait3A_178] : memref<10240xf32, #tpu.memory_space<vmem_shared>> -> memref<10240xf32, #tpu.memory_space<vmem_shared>>
      %dma_wait3A_180 = tpu.memref_slice %arg8[%dma_wait3A_174] : memref<10x!tpu.dma_semaphore, #tpu.memory_space<semaphore_mem>> -> memref<1x!tpu.dma_semaphore, #tpu.memory_space<semaphore_mem>>
      %dma_wait3A_181 = tpu.memref_squeeze %dma_wait3A_180 : memref<1x!tpu.dma_semaphore, #tpu.memory_space<semaphore_mem>> -> memref<!tpu.dma_semaphore, #tpu.memory_space<semaphore_mem>>
      tpu.wait_indirect_dma semaphore(%dma_wait3A_181 : memref<!tpu.dma_semaphore, #tpu.memory_space<semaphore_mem>>) src(%arg6 : memref<80xf32, #tpu.memory_space<vmem>>) dst(%dma_wait3A_179 : memref<10240xf32, #tpu.memory_space<vmem_shared>>)
      %dma_wait3A_182 = arith.constant 7 : i32
      %dma_wait3A_183 = arith.constant 0 : i32
      %dma_wait3A_184 = tpu.memref_slice %arg5[%add3A_98, %dma_wait3A_183] : memref<250x80xi32, #tpu.memory_space<vmem>> -> memref<1x80xi32, #tpu.memory_space<vmem>>
      %dma_wait3A_185 = tpu.memref_squeeze %dma_wait3A_184 : memref<1x80xi32, #tpu.memory_space<vmem>> -> memref<80xi32, #tpu.memory_space<vmem>>
      %dma_wait3A_186 = arith.constant 0 : i32
      %dma_wait3A_187 = tpu.memref_slice %arg4[%dma_wait3A_186] : memref<10240xf32, #tpu.memory_space<vmem_shared>> -> memref<10240xf32, #tpu.memory_space<vmem_shared>>
      %dma_wait3A_188 = tpu.memref_slice %arg8[%dma_wait3A_182] : memref<10x!tpu.dma_semaphore, #tpu.memory_space<semaphore_mem>> -> memref<1x!tpu.dma_semaphore, #tpu.memory_space<semaphore_mem>>
      %dma_wait3A_189 = tpu.memref_squeeze %dma_wait3A_188 : memref<1x!tpu.dma_semaphore, #tpu.memory_space<semaphore_mem>> -> memref<!tpu.dma_semaphore, #tpu.memory_space<semaphore_mem>>
      tpu.wait_indirect_dma semaphore(%dma_wait3A_189 : memref<!tpu.dma_semaphore, #tpu.memory_space<semaphore_mem>>) src(%arg6 : memref<80xf32, #tpu.memory_space<vmem>>) dst(%dma_wait3A_187 : memref<10240xf32, #tpu.memory_space<vmem_shared>>)
      %dma_wait3A_190 = arith.constant 8 : i32
      %dma_wait3A_191 = arith.constant 0 : i32
      %dma_wait3A_192 = tpu.memref_slice %arg5[%add3A_108, %dma_wait3A_191] : memref<250x80xi32, #tpu.memory_space<vmem>> -> memref<1x80xi32, #tpu.memory_space<vmem>>
      %dma_wait3A_193 = tpu.memref_squeeze %dma_wait3A_192 : memref<1x80xi32, #tpu.memory_space<vmem>> -> memref<80xi32, #tpu.memory_space<vmem>>
      %dma_wait3A_194 = arith.constant 0 : i32
      %dma_wait3A_195 = tpu.memref_slice %arg4[%dma_wait3A_194] : memref<10240xf32, #tpu.memory_space<vmem_shared>> -> memref<10240xf32, #tpu.memory_space<vmem_shared>>
      %dma_wait3A_196 = tpu.memref_slice %arg8[%dma_wait3A_190] : memref<10x!tpu.dma_semaphore, #tpu.memory_space<semaphore_mem>> -> memref<1x!tpu.dma_semaphore, #tpu.memory_space<semaphore_mem>>
      %dma_wait3A_197 = tpu.memref_squeeze %dma_wait3A_196 : memref<1x!tpu.dma_semaphore, #tpu.memory_space<semaphore_mem>> -> memref<!tpu.dma_semaphore, #tpu.memory_space<semaphore_mem>>
      tpu.wait_indirect_dma semaphore(%dma_wait3A_197 : memref<!tpu.dma_semaphore, #tpu.memory_space<semaphore_mem>>) src(%arg6 : memref<80xf32, #tpu.memory_space<vmem>>) dst(%dma_wait3A_195 : memref<10240xf32, #tpu.memory_space<vmem_shared>>)
      %dma_wait3A_198 = arith.constant 9 : i32
      %dma_wait3A_199 = arith.constant 0 : i32
      %dma_wait3A_200 = tpu.memref_slice %arg5[%add3A_118, %dma_wait3A_199] : memref<250x80xi32, #tpu.memory_space<vmem>> -> memref<1x80xi32, #tpu.memory_space<vmem>>
      %dma_wait3A_201 = tpu.memref_squeeze %dma_wait3A_200 : memref<1x80xi32, #tpu.memory_space<vmem>> -> memref<80xi32, #tpu.memory_space<vmem>>
      %dma_wait3A_202 = arith.constant 0 : i32
      %dma_wait3A_203 = tpu.memref_slice %arg4[%dma_wait3A_202] : memref<10240xf32, #tpu.memory_space<vmem_shared>> -> memref<10240xf32, #tpu.memory_space<vmem_shared>>
      %dma_wait3A_204 = tpu.memref_slice %arg8[%dma_wait3A_198] : memref<10x!tpu.dma_semaphore, #tpu.memory_space<semaphore_mem>> -> memref<1x!tpu.dma_semaphore, #tpu.memory_space<semaphore_mem>>
      %dma_wait3A_205 = tpu.memref_squeeze %dma_wait3A_204 : memref<1x!tpu.dma_semaphore, #tpu.memory_space<semaphore_mem>> -> memref<!tpu.dma_semaphore, #tpu.memory_space<semaphore_mem>>
      tpu.wait_indirect_dma semaphore(%dma_wait3A_205 : memref<!tpu.dma_semaphore, #tpu.memory_space<semaphore_mem>>) src(%arg6 : memref<80xf32, #tpu.memory_space<vmem>>) dst(%dma_wait3A_203 : memref<10240xf32, #tpu.memory_space<vmem_shared>>)
    }
    %scan3A_16 = arith.constant 25 : i32
    %barrier3A_17 = arith.constant 0 : index
    tpu.barrier barrier_id(%barrier3A_17)
    %lt3A = arith.constant 15 : i32
    %lt3A_18 = arith.cmpi slt, %arg1, %lt3A : i32
    %convert_element_type3A = arith.extui %lt3A_18 : i1 to i32
    %cond3A = arith.constant 0 : i32
    %cond3A_19 = arith.cmpi ne, %convert_element_type3A, %cond3A : i32
    scf.if %cond3A_19 {
      %mul3A_24 = arith.constant 640 : i32
      %mul3A_25 = arith.muli %arg1, %mul3A_24 : i32
      %mul3A_26 = arith.constant 640 : i32
      %mul3A_27 = arith.muli %arg1, %mul3A_26 : i32
      "tpu.region"() ({
        %run_scoped3A = tpu.sem_alloc : memref<!tpu.dma_semaphore, #tpu.memory_space<semaphore_mem>>
        %dma_start3A = tpu.memref_slice %arg3[%arg0, %mul3A_27] : memref<2x10000xf32, #tpu.memory_space<hbm>> -> memref<1x640xf32, #tpu.memory_space<hbm>>
        %dma_start3A_28 = tpu.memref_squeeze %dma_start3A : memref<1x640xf32, #tpu.memory_space<hbm>> -> memref<640xf32, #tpu.memory_space<hbm>>
        %dma_start3A_29 = tpu.memref_slice %arg4[%mul3A_25] : memref<10240xf32, #tpu.memory_space<vmem_shared>> -> memref<640xf32, #tpu.memory_space<vmem_shared>>
        tpu.enqueue_dma source(%dma_start3A_29 : memref<640xf32, #tpu.memory_space<vmem_shared>>) target(%dma_start3A_28 : memref<640xf32, #tpu.memory_space<hbm>>) target_semaphore(%run_scoped3A : memref<!tpu.dma_semaphore, #tpu.memory_space<semaphore_mem>>)
        %dma_wait3A = tpu.memref_slice %arg3[%arg0, %mul3A_27] : memref<2x10000xf32, #tpu.memory_space<hbm>> -> memref<1x640xf32, #tpu.memory_space<hbm>>
        %dma_wait3A_30 = tpu.memref_squeeze %dma_wait3A : memref<1x640xf32, #tpu.memory_space<hbm>> -> memref<640xf32, #tpu.memory_space<hbm>>
        %dma_wait3A_31 = tpu.memref_slice %arg4[%mul3A_25] : memref<10240xf32, #tpu.memory_space<vmem_shared>> -> memref<640xf32, #tpu.memory_space<vmem_shared>>
        tpu.wait_dma2 semaphore(%run_scoped3A : memref<!tpu.dma_semaphore, #tpu.memory_space<semaphore_mem>>) src(%dma_wait3A_31 : memref<640xf32, #tpu.memory_space<vmem_shared>>) dst(%dma_wait3A_30 : memref<640xf32, #tpu.memory_space<hbm>>)
        tpu.yield
      }) : () -> ()
    } else {
    }
    %eq3A = arith.constant 15 : i32
    %eq3A_20 = arith.cmpi eq, %arg1, %eq3A : i32
    %convert_element_type3A_21 = arith.extui %eq3A_20 : i1 to i32
    %cond3A_22 = arith.constant 0 : i32
    %cond3A_23 = arith.cmpi ne, %convert_element_type3A_21, %cond3A_22 : i32
    scf.if %cond3A_23 {
      "tpu.region"() ({
        %run_scoped3A = tpu.sem_alloc : memref<!tpu.dma_semaphore, #tpu.memory_space<semaphore_mem>>
        %dma_start3A = arith.constant 9600 : i32
        %dma_start3A_24 = tpu.memref_slice %arg3[%arg0, %dma_start3A] : memref<2x10000xf32, #tpu.memory_space<hbm>> -> memref<1x400xf32, #tpu.memory_space<hbm>>
        %dma_start3A_25 = tpu.memref_squeeze %dma_start3A_24 : memref<1x400xf32, #tpu.memory_space<hbm>> -> memref<400xf32, #tpu.memory_space<hbm>>
        %dma_start3A_26 = arith.constant 9600 : i32
        %dma_start3A_27 = tpu.memref_slice %arg4[%dma_start3A_26] : memref<10240xf32, #tpu.memory_space<vmem_shared>> -> memref<400xf32, #tpu.memory_space<vmem_shared>>
        tpu.enqueue_dma source(%dma_start3A_27 : memref<400xf32, #tpu.memory_space<vmem_shared>>) target(%dma_start3A_25 : memref<400xf32, #tpu.memory_space<hbm>>) target_semaphore(%run_scoped3A : memref<!tpu.dma_semaphore, #tpu.memory_space<semaphore_mem>>)
        %dma_wait3A = arith.constant 9600 : i32
        %dma_wait3A_28 = tpu.memref_slice %arg3[%arg0, %dma_wait3A] : memref<2x10000xf32, #tpu.memory_space<hbm>> -> memref<1x400xf32, #tpu.memory_space<hbm>>
        %dma_wait3A_29 = tpu.memref_squeeze %dma_wait3A_28 : memref<1x400xf32, #tpu.memory_space<hbm>> -> memref<400xf32, #tpu.memory_space<hbm>>
        %dma_wait3A_30 = arith.constant 9600 : i32
        %dma_wait3A_31 = tpu.memref_slice %arg4[%dma_wait3A_30] : memref<10240xf32, #tpu.memory_space<vmem_shared>> -> memref<400xf32, #tpu.memory_space<vmem_shared>>
        tpu.wait_dma2 semaphore(%run_scoped3A : memref<!tpu.dma_semaphore, #tpu.memory_space<semaphore_mem>>) src(%dma_wait3A_31 : memref<400xf32, #tpu.memory_space<vmem_shared>>) dst(%dma_wait3A_29 : memref<400xf32, #tpu.memory_space<hbm>>)
        tpu.yield
      }) : () -> ()
    } else {
    }
    return
  }
}

#map = affine_map<(d0, d1) -> (0, 0)>
#map1 = affine_map<(d0, d1) -> (0, 0, 0)>
module attributes {stable_mosaic.version = 14 : i64} {
  func.func @_aggregate_body(%arg0: i32, %arg1: i32, %arg2: memref<10000x128xf32, #tpu.memory_space<hbm>>, %arg3: memref<2x4000x80xi32, #tpu.memory_space<hbm>>, %arg4: memref<625x128xf32, #tpu.memory_space<hbm>>, %arg5: memref<2x10000x128xf32, #tpu.memory_space<hbm>>, %arg6: memref<10000x128xf32, #tpu.memory_space<vmem_shared>>, %arg7: memref<125x80xi32, #tpu.memory_space<vmem>>, %arg8: memref<125x80xi32, #tpu.memory_space<vmem>>, %arg9: memref<3x80x128xf32, #tpu.memory_space<vmem>>, %arg10: memref<3x!tpu.dma_semaphore, #tpu.memory_space<semaphore_mem>>, %arg11: memref<3x!tpu.dma_semaphore, #tpu.memory_space<semaphore_mem>>) attributes {dimension_semantics = [#tpu.dimension_semantics<core_parallel>, #tpu.dimension_semantics<subcore_parallel>], iteration_bounds = array<i64: 2, 16>, scalar_prefetch = 0 : i64, scratch_operands = 6 : i64, tpu.core_type = #tpu.core_type<sc_vector_subcore>, window_params = [{transform_indices = #map}, {transform_indices = #map1}, {transform_indices = #map}, {transform_indices = #map1}]} {
    %mul3A = arith.constant 2000 : i32
    %mul3A_0 = arith.muli %arg0, %mul3A : i32
    %mul3A_1 = arith.constant 125 : i32
    %mul3A_2 = arith.muli %arg1, %mul3A_1 : i32
    %add3A = arith.addi %mul3A_0, %mul3A_2 : i32
    %mul3A_3 = arith.constant 625 : i32
    %mul3A_4 = arith.muli %arg1, %mul3A_3 : i32
    %dma_start3A = arith.constant 0 : i32
    %dma_start3A_5 = tpu.memref_slice %arg10[%dma_start3A] : memref<3x!tpu.dma_semaphore, #tpu.memory_space<semaphore_mem>> -> memref<1x!tpu.dma_semaphore, #tpu.memory_space<semaphore_mem>>
    %dma_start3A_6 = tpu.memref_squeeze %dma_start3A_5 : memref<1x!tpu.dma_semaphore, #tpu.memory_space<semaphore_mem>> -> memref<!tpu.dma_semaphore, #tpu.memory_space<semaphore_mem>>
    %dma_start3A_7 = arith.constant 0 : i32
    %dma_start3A_8 = tpu.memref_slice %arg6[%mul3A_4, %dma_start3A_7] : memref<10000x128xf32, #tpu.memory_space<vmem_shared>> -> memref<625x128xf32, #tpu.memory_space<vmem_shared>>
    tpu.enqueue_dma source(%arg4 : memref<625x128xf32, #tpu.memory_space<hbm>>) target(%dma_start3A_8 : memref<625x128xf32, #tpu.memory_space<vmem_shared>>) target_semaphore(%dma_start3A_6 : memref<!tpu.dma_semaphore, #tpu.memory_space<semaphore_mem>>)
    %run_scoped3A = arith.constant 0 : i32
    "tpu.region"() ({
      %run_scoped3A_76 = tpu.sem_alloc : memref<!tpu.dma_semaphore, #tpu.memory_space<semaphore_mem>>
      %dma_start3A_77 = arith.constant 0 : i32
      %dma_start3A_78 = tpu.memref_slice %arg3[%run_scoped3A, %add3A, %dma_start3A_77] : memref<2x4000x80xi32, #tpu.memory_space<hbm>> -> memref<1x125x80xi32, #tpu.memory_space<hbm>>
      %dma_start3A_79 = tpu.memref_squeeze %dma_start3A_78 : memref<1x125x80xi32, #tpu.memory_space<hbm>> -> memref<125x80xi32, #tpu.memory_space<hbm>>
      %dma_start3A_80 = arith.constant 0 : i32
      %dma_start3A_81 = tpu.memref_slice %arg3[%run_scoped3A, %add3A, %dma_start3A_80] : memref<2x4000x80xi32, #tpu.memory_space<hbm>> -> memref<1x125x80xi32, #tpu.memory_space<hbm>>
      %dma_start3A_82 = tpu.memref_squeeze %dma_start3A_81 : memref<1x125x80xi32, #tpu.memory_space<hbm>> -> memref<125x80xi32, #tpu.memory_space<hbm>>
      tpu.enqueue_dma source(%dma_start3A_82 : memref<125x80xi32, #tpu.memory_space<hbm>>) target(%arg7 : memref<125x80xi32, #tpu.memory_space<vmem>>) target_semaphore(%run_scoped3A_76 : memref<!tpu.dma_semaphore, #tpu.memory_space<semaphore_mem>>)
      %dma_wait3A_83 = arith.constant 0 : i32
      %dma_wait3A_84 = tpu.memref_slice %arg3[%run_scoped3A, %add3A, %dma_wait3A_83] : memref<2x4000x80xi32, #tpu.memory_space<hbm>> -> memref<1x125x80xi32, #tpu.memory_space<hbm>>
      %dma_wait3A_85 = tpu.memref_squeeze %dma_wait3A_84 : memref<1x125x80xi32, #tpu.memory_space<hbm>> -> memref<125x80xi32, #tpu.memory_space<hbm>>
      %dma_wait3A_86 = arith.constant 0 : i32
      %dma_wait3A_87 = tpu.memref_slice %arg3[%run_scoped3A, %add3A, %dma_wait3A_86] : memref<2x4000x80xi32, #tpu.memory_space<hbm>> -> memref<1x125x80xi32, #tpu.memory_space<hbm>>
      %dma_wait3A_88 = tpu.memref_squeeze %dma_wait3A_87 : memref<1x125x80xi32, #tpu.memory_space<hbm>> -> memref<125x80xi32, #tpu.memory_space<hbm>>
      tpu.wait_dma2 semaphore(%run_scoped3A_76 : memref<!tpu.dma_semaphore, #tpu.memory_space<semaphore_mem>>) src(%dma_wait3A_88 : memref<125x80xi32, #tpu.memory_space<hbm>>) dst(%arg7 : memref<125x80xi32, #tpu.memory_space<vmem>>)
      tpu.yield
    }) : () -> ()
    %run_scoped3A_9 = arith.constant 1 : i32
    "tpu.region"() ({
      %run_scoped3A_76 = tpu.sem_alloc : memref<!tpu.dma_semaphore, #tpu.memory_space<semaphore_mem>>
      %dma_start3A_77 = arith.constant 0 : i32
      %dma_start3A_78 = tpu.memref_slice %arg3[%run_scoped3A_9, %add3A, %dma_start3A_77] : memref<2x4000x80xi32, #tpu.memory_space<hbm>> -> memref<1x125x80xi32, #tpu.memory_space<hbm>>
      %dma_start3A_79 = tpu.memref_squeeze %dma_start3A_78 : memref<1x125x80xi32, #tpu.memory_space<hbm>> -> memref<125x80xi32, #tpu.memory_space<hbm>>
      %dma_start3A_80 = arith.constant 0 : i32
      %dma_start3A_81 = tpu.memref_slice %arg3[%run_scoped3A_9, %add3A, %dma_start3A_80] : memref<2x4000x80xi32, #tpu.memory_space<hbm>> -> memref<1x125x80xi32, #tpu.memory_space<hbm>>
      %dma_start3A_82 = tpu.memref_squeeze %dma_start3A_81 : memref<1x125x80xi32, #tpu.memory_space<hbm>> -> memref<125x80xi32, #tpu.memory_space<hbm>>
      tpu.enqueue_dma source(%dma_start3A_82 : memref<125x80xi32, #tpu.memory_space<hbm>>) target(%arg8 : memref<125x80xi32, #tpu.memory_space<vmem>>) target_semaphore(%run_scoped3A_76 : memref<!tpu.dma_semaphore, #tpu.memory_space<semaphore_mem>>)
      %dma_wait3A_83 = arith.constant 0 : i32
      %dma_wait3A_84 = tpu.memref_slice %arg3[%run_scoped3A_9, %add3A, %dma_wait3A_83] : memref<2x4000x80xi32, #tpu.memory_space<hbm>> -> memref<1x125x80xi32, #tpu.memory_space<hbm>>
      %dma_wait3A_85 = tpu.memref_squeeze %dma_wait3A_84 : memref<1x125x80xi32, #tpu.memory_space<hbm>> -> memref<125x80xi32, #tpu.memory_space<hbm>>
      %dma_wait3A_86 = arith.constant 0 : i32
      %dma_wait3A_87 = tpu.memref_slice %arg3[%run_scoped3A_9, %add3A, %dma_wait3A_86] : memref<2x4000x80xi32, #tpu.memory_space<hbm>> -> memref<1x125x80xi32, #tpu.memory_space<hbm>>
      %dma_wait3A_88 = tpu.memref_squeeze %dma_wait3A_87 : memref<1x125x80xi32, #tpu.memory_space<hbm>> -> memref<125x80xi32, #tpu.memory_space<hbm>>
      tpu.wait_dma2 semaphore(%run_scoped3A_76 : memref<!tpu.dma_semaphore, #tpu.memory_space<semaphore_mem>>) src(%dma_wait3A_88 : memref<125x80xi32, #tpu.memory_space<hbm>>) dst(%arg8 : memref<125x80xi32, #tpu.memory_space<vmem>>)
      tpu.yield
    }) : () -> ()
    %dma_wait3A = arith.constant 0 : i32
    %dma_wait3A_10 = tpu.memref_slice %arg10[%dma_wait3A] : memref<3x!tpu.dma_semaphore, #tpu.memory_space<semaphore_mem>> -> memref<1x!tpu.dma_semaphore, #tpu.memory_space<semaphore_mem>>
    %dma_wait3A_11 = tpu.memref_squeeze %dma_wait3A_10 : memref<1x!tpu.dma_semaphore, #tpu.memory_space<semaphore_mem>> -> memref<!tpu.dma_semaphore, #tpu.memory_space<semaphore_mem>>
    %dma_wait3A_12 = arith.constant 0 : i32
    %dma_wait3A_13 = tpu.memref_slice %arg6[%mul3A_4, %dma_wait3A_12] : memref<10000x128xf32, #tpu.memory_space<vmem_shared>> -> memref<625x128xf32, #tpu.memory_space<vmem_shared>>
    tpu.wait_dma2 semaphore(%dma_wait3A_11 : memref<!tpu.dma_semaphore, #tpu.memory_space<semaphore_mem>>) src(%arg4 : memref<625x128xf32, #tpu.memory_space<hbm>>) dst(%dma_wait3A_13 : memref<625x128xf32, #tpu.memory_space<vmem_shared>>)
    %barrier3A = arith.constant 0 : index
    tpu.barrier barrier_id(%barrier3A)
    %scan3A = arith.constant 0 : i32
    %scan3A_14 = arith.constant 41 : i32
    %scan3A_15 = arith.addi %scan3A, %scan3A_14 : i32
    %scan3A_16 = arith.constant 1 : i32
    scf.for %scan3A_76 = %scan3A to %scan3A_15 step %scan3A_16  : i32 {
      %mul3A_77 = arith.constant 3 : i32
      %mul3A_78 = arith.muli %scan3A_76, %mul3A_77 : i32
      %add3A_79 = arith.constant 0 : i32
      %add3A_80 = arith.addi %add3A_79, %mul3A_78 : i32
      %ge3A = arith.constant 3 : i32
      %ge3A_81 = arith.cmpi sge, %add3A_80, %ge3A : i32
      %convert_element_type3A = arith.extui %ge3A_81 : i1 to i32
      %cond3A = arith.constant 0 : i32
      %cond3A_82 = arith.cmpi ne, %convert_element_type3A, %cond3A : i32
      scf.if %cond3A_82 {
        %sub3A = arith.constant 3 : i32
        %sub3A_237 = arith.subi %add3A_80, %sub3A : i32
        %add3A_238 = arith.constant 0 : i32
        %add3A_239 = arith.addi %sub3A_237, %add3A_238 : i32
        %dma_wait3A_240 = arith.constant 0 : i32
        %dma_wait3A_241 = arith.constant 0 : i32
        %dma_wait3A_242 = arith.constant 0 : i32
        %dma_wait3A_243 = arith.constant 0 : i32
        %dma_wait3A_244 = tpu.memref_slice %arg9[%dma_wait3A_240, %dma_wait3A_242, %dma_wait3A_243] : memref<3x80x128xf32, #tpu.memory_space<vmem>> -> memref<1x80x128xf32, #tpu.memory_space<vmem>>
        %dma_wait3A_245 = tpu.memref_squeeze %dma_wait3A_244 : memref<1x80x128xf32, #tpu.memory_space<vmem>> -> memref<80x128xf32, #tpu.memory_space<vmem>>
        %dma_wait3A_246 = arith.constant 0 : i32
        %dma_wait3A_247 = tpu.memref_slice %arg8[%add3A_239, %dma_wait3A_246] : memref<125x80xi32, #tpu.memory_space<vmem>> -> memref<1x80xi32, #tpu.memory_space<vmem>>
        %dma_wait3A_248 = tpu.memref_squeeze %dma_wait3A_247 : memref<1x80xi32, #tpu.memory_space<vmem>> -> memref<80xi32, #tpu.memory_space<vmem>>
        %dma_wait3A_249 = arith.constant 0 : i32
        %dma_wait3A_250 = arith.constant 0 : i32
        %dma_wait3A_251 = tpu.memref_slice %arg6[%dma_wait3A_249, %dma_wait3A_250] : memref<10000x128xf32, #tpu.memory_space<vmem_shared>> -> memref<10000x128xf32, #tpu.memory_space<vmem_shared>>
        %dma_wait3A_252 = tpu.memref_slice %arg11[%dma_wait3A_241] : memref<3x!tpu.dma_semaphore, #tpu.memory_space<semaphore_mem>> -> memref<1x!tpu.dma_semaphore, #tpu.memory_space<semaphore_mem>>
        %dma_wait3A_253 = tpu.memref_squeeze %dma_wait3A_252 : memref<1x!tpu.dma_semaphore, #tpu.memory_space<semaphore_mem>> -> memref<!tpu.dma_semaphore, #tpu.memory_space<semaphore_mem>>
        tpu.wait_indirect_dma semaphore(%dma_wait3A_253 : memref<!tpu.dma_semaphore, #tpu.memory_space<semaphore_mem>>) src(%dma_wait3A_245 : memref<80x128xf32, #tpu.memory_space<vmem>>) dst(%dma_wait3A_251 : memref<10000x128xf32, #tpu.memory_space<vmem_shared>>)
      } else {
      }
      %add3A_83 = arith.constant 0 : i32
      %add3A_84 = arith.addi %add3A_80, %add3A_83 : i32
      %dma_start3A_85 = arith.constant 0 : i32
      %dma_start3A_86 = arith.constant 0 : i32
      %dma_start3A_87 = arith.constant 0 : i32
      %dma_start3A_88 = arith.constant 0 : i32
      %dma_start3A_89 = tpu.memref_slice %arg9[%dma_start3A_85, %dma_start3A_87, %dma_start3A_88] : memref<3x80x128xf32, #tpu.memory_space<vmem>> -> memref<1x80x128xf32, #tpu.memory_space<vmem>>
      %dma_start3A_90 = tpu.memref_squeeze %dma_start3A_89 : memref<1x80x128xf32, #tpu.memory_space<vmem>> -> memref<80x128xf32, #tpu.memory_space<vmem>>
      %dma_start3A_91 = arith.constant 0 : i32
      %dma_start3A_92 = tpu.memref_slice %arg7[%add3A_84, %dma_start3A_91] : memref<125x80xi32, #tpu.memory_space<vmem>> -> memref<1x80xi32, #tpu.memory_space<vmem>>
      %dma_start3A_93 = tpu.memref_squeeze %dma_start3A_92 : memref<1x80xi32, #tpu.memory_space<vmem>> -> memref<80xi32, #tpu.memory_space<vmem>>
      %dma_start3A_94 = arith.constant 0 : i32
      %dma_start3A_95 = arith.constant 0 : i32
      %dma_start3A_96 = tpu.memref_slice %arg2[%dma_start3A_94, %dma_start3A_95] : memref<10000x128xf32, #tpu.memory_space<hbm>> -> memref<10000x128xf32, #tpu.memory_space<hbm>>
      %dma_start3A_97 = tpu.memref_slice %arg10[%dma_start3A_86] : memref<3x!tpu.dma_semaphore, #tpu.memory_space<semaphore_mem>> -> memref<1x!tpu.dma_semaphore, #tpu.memory_space<semaphore_mem>>
      %dma_start3A_98 = tpu.memref_squeeze %dma_start3A_97 : memref<1x!tpu.dma_semaphore, #tpu.memory_space<semaphore_mem>> -> memref<!tpu.dma_semaphore, #tpu.memory_space<semaphore_mem>>
      tpu.enqueue_indirect_dma source(%dma_start3A_96 : memref<10000x128xf32, #tpu.memory_space<hbm>>) target(%dma_start3A_90 : memref<80x128xf32, #tpu.memory_space<vmem>>) offsets(%dma_start3A_93 : memref<80xi32, #tpu.memory_space<vmem>>) semaphore(%dma_start3A_98 : memref<!tpu.dma_semaphore, #tpu.memory_space<semaphore_mem>>)
      %ge3A_99 = arith.constant 3 : i32
      %ge3A_100 = arith.cmpi sge, %add3A_80, %ge3A_99 : i32
      %convert_element_type3A_101 = arith.extui %ge3A_100 : i1 to i32
      %cond3A_102 = arith.constant 0 : i32
      %cond3A_103 = arith.cmpi ne, %convert_element_type3A_101, %cond3A_102 : i32
      scf.if %cond3A_103 {
        %sub3A = arith.constant 3 : i32
        %sub3A_237 = arith.subi %add3A_80, %sub3A : i32
        %add3A_238 = arith.constant 1 : i32
        %add3A_239 = arith.addi %sub3A_237, %add3A_238 : i32
        %dma_wait3A_240 = arith.constant 1 : i32
        %dma_wait3A_241 = arith.constant 1 : i32
        %dma_wait3A_242 = arith.constant 0 : i32
        %dma_wait3A_243 = arith.constant 0 : i32
        %dma_wait3A_244 = tpu.memref_slice %arg9[%dma_wait3A_240, %dma_wait3A_242, %dma_wait3A_243] : memref<3x80x128xf32, #tpu.memory_space<vmem>> -> memref<1x80x128xf32, #tpu.memory_space<vmem>>
        %dma_wait3A_245 = tpu.memref_squeeze %dma_wait3A_244 : memref<1x80x128xf32, #tpu.memory_space<vmem>> -> memref<80x128xf32, #tpu.memory_space<vmem>>
        %dma_wait3A_246 = arith.constant 0 : i32
        %dma_wait3A_247 = tpu.memref_slice %arg8[%add3A_239, %dma_wait3A_246] : memref<125x80xi32, #tpu.memory_space<vmem>> -> memref<1x80xi32, #tpu.memory_space<vmem>>
        %dma_wait3A_248 = tpu.memref_squeeze %dma_wait3A_247 : memref<1x80xi32, #tpu.memory_space<vmem>> -> memref<80xi32, #tpu.memory_space<vmem>>
        %dma_wait3A_249 = arith.constant 0 : i32
        %dma_wait3A_250 = arith.constant 0 : i32
        %dma_wait3A_251 = tpu.memref_slice %arg6[%dma_wait3A_249, %dma_wait3A_250] : memref<10000x128xf32, #tpu.memory_space<vmem_shared>> -> memref<10000x128xf32, #tpu.memory_space<vmem_shared>>
        %dma_wait3A_252 = tpu.memref_slice %arg11[%dma_wait3A_241] : memref<3x!tpu.dma_semaphore, #tpu.memory_space<semaphore_mem>> -> memref<1x!tpu.dma_semaphore, #tpu.memory_space<semaphore_mem>>
        %dma_wait3A_253 = tpu.memref_squeeze %dma_wait3A_252 : memref<1x!tpu.dma_semaphore, #tpu.memory_space<semaphore_mem>> -> memref<!tpu.dma_semaphore, #tpu.memory_space<semaphore_mem>>
        tpu.wait_indirect_dma semaphore(%dma_wait3A_253 : memref<!tpu.dma_semaphore, #tpu.memory_space<semaphore_mem>>) src(%dma_wait3A_245 : memref<80x128xf32, #tpu.memory_space<vmem>>) dst(%dma_wait3A_251 : memref<10000x128xf32, #tpu.memory_space<vmem_shared>>)
      } else {
      }
      %add3A_104 = arith.constant 1 : i32
      %add3A_105 = arith.addi %add3A_80, %add3A_104 : i32
      %dma_start3A_106 = arith.constant 1 : i32
      %dma_start3A_107 = arith.constant 1 : i32
      %dma_start3A_108 = arith.constant 0 : i32
      %dma_start3A_109 = arith.constant 0 : i32
      %dma_start3A_110 = tpu.memref_slice %arg9[%dma_start3A_106, %dma_start3A_108, %dma_start3A_109] : memref<3x80x128xf32, #tpu.memory_space<vmem>> -> memref<1x80x128xf32, #tpu.memory_space<vmem>>
      %dma_start3A_111 = tpu.memref_squeeze %dma_start3A_110 : memref<1x80x128xf32, #tpu.memory_space<vmem>> -> memref<80x128xf32, #tpu.memory_space<vmem>>
      %dma_start3A_112 = arith.constant 0 : i32
      %dma_start3A_113 = tpu.memref_slice %arg7[%add3A_105, %dma_start3A_112] : memref<125x80xi32, #tpu.memory_space<vmem>> -> memref<1x80xi32, #tpu.memory_space<vmem>>
      %dma_start3A_114 = tpu.memref_squeeze %dma_start3A_113 : memref<1x80xi32, #tpu.memory_space<vmem>> -> memref<80xi32, #tpu.memory_space<vmem>>
      %dma_start3A_115 = arith.constant 0 : i32
      %dma_start3A_116 = arith.constant 0 : i32
      %dma_start3A_117 = tpu.memref_slice %arg2[%dma_start3A_115, %dma_start3A_116] : memref<10000x128xf32, #tpu.memory_space<hbm>> -> memref<10000x128xf32, #tpu.memory_space<hbm>>
      %dma_start3A_118 = tpu.memref_slice %arg10[%dma_start3A_107] : memref<3x!tpu.dma_semaphore, #tpu.memory_space<semaphore_mem>> -> memref<1x!tpu.dma_semaphore, #tpu.memory_space<semaphore_mem>>
      %dma_start3A_119 = tpu.memref_squeeze %dma_start3A_118 : memref<1x!tpu.dma_semaphore, #tpu.memory_space<semaphore_mem>> -> memref<!tpu.dma_semaphore, #tpu.memory_space<semaphore_mem>>
      tpu.enqueue_indirect_dma source(%dma_start3A_117 : memref<10000x128xf32, #tpu.memory_space<hbm>>) target(%dma_start3A_111 : memref<80x128xf32, #tpu.memory_space<vmem>>) offsets(%dma_start3A_114 : memref<80xi32, #tpu.memory_space<vmem>>) semaphore(%dma_start3A_119 : memref<!tpu.dma_semaphore, #tpu.memory_space<semaphore_mem>>)
      %ge3A_120 = arith.constant 3 : i32
      %ge3A_121 = arith.cmpi sge, %add3A_80, %ge3A_120 : i32
      %convert_element_type3A_122 = arith.extui %ge3A_121 : i1 to i32
      %cond3A_123 = arith.constant 0 : i32
      %cond3A_124 = arith.cmpi ne, %convert_element_type3A_122, %cond3A_123 : i32
      scf.if %cond3A_124 {
        %sub3A = arith.constant 3 : i32
        %sub3A_237 = arith.subi %add3A_80, %sub3A : i32
        %add3A_238 = arith.constant 2 : i32
        %add3A_239 = arith.addi %sub3A_237, %add3A_238 : i32
        %dma_wait3A_240 = arith.constant 2 : i32
        %dma_wait3A_241 = arith.constant 2 : i32
        %dma_wait3A_242 = arith.constant 0 : i32
        %dma_wait3A_243 = arith.constant 0 : i32
        %dma_wait3A_244 = tpu.memref_slice %arg9[%dma_wait3A_240, %dma_wait3A_242, %dma_wait3A_243] : memref<3x80x128xf32, #tpu.memory_space<vmem>> -> memref<1x80x128xf32, #tpu.memory_space<vmem>>
        %dma_wait3A_245 = tpu.memref_squeeze %dma_wait3A_244 : memref<1x80x128xf32, #tpu.memory_space<vmem>> -> memref<80x128xf32, #tpu.memory_space<vmem>>
        %dma_wait3A_246 = arith.constant 0 : i32
        %dma_wait3A_247 = tpu.memref_slice %arg8[%add3A_239, %dma_wait3A_246] : memref<125x80xi32, #tpu.memory_space<vmem>> -> memref<1x80xi32, #tpu.memory_space<vmem>>
        %dma_wait3A_248 = tpu.memref_squeeze %dma_wait3A_247 : memref<1x80xi32, #tpu.memory_space<vmem>> -> memref<80xi32, #tpu.memory_space<vmem>>
        %dma_wait3A_249 = arith.constant 0 : i32
        %dma_wait3A_250 = arith.constant 0 : i32
        %dma_wait3A_251 = tpu.memref_slice %arg6[%dma_wait3A_249, %dma_wait3A_250] : memref<10000x128xf32, #tpu.memory_space<vmem_shared>> -> memref<10000x128xf32, #tpu.memory_space<vmem_shared>>
        %dma_wait3A_252 = tpu.memref_slice %arg11[%dma_wait3A_241] : memref<3x!tpu.dma_semaphore, #tpu.memory_space<semaphore_mem>> -> memref<1x!tpu.dma_semaphore, #tpu.memory_space<semaphore_mem>>
        %dma_wait3A_253 = tpu.memref_squeeze %dma_wait3A_252 : memref<1x!tpu.dma_semaphore, #tpu.memory_space<semaphore_mem>> -> memref<!tpu.dma_semaphore, #tpu.memory_space<semaphore_mem>>
        tpu.wait_indirect_dma semaphore(%dma_wait3A_253 : memref<!tpu.dma_semaphore, #tpu.memory_space<semaphore_mem>>) src(%dma_wait3A_245 : memref<80x128xf32, #tpu.memory_space<vmem>>) dst(%dma_wait3A_251 : memref<10000x128xf32, #tpu.memory_space<vmem_shared>>)
      } else {
      }
      %add3A_125 = arith.constant 2 : i32
      %add3A_126 = arith.addi %add3A_80, %add3A_125 : i32
      %dma_start3A_127 = arith.constant 2 : i32
      %dma_start3A_128 = arith.constant 2 : i32
      %dma_start3A_129 = arith.constant 0 : i32
      %dma_start3A_130 = arith.constant 0 : i32
      %dma_start3A_131 = tpu.memref_slice %arg9[%dma_start3A_127, %dma_start3A_129, %dma_start3A_130] : memref<3x80x128xf32, #tpu.memory_space<vmem>> -> memref<1x80x128xf32, #tpu.memory_space<vmem>>
      %dma_start3A_132 = tpu.memref_squeeze %dma_start3A_131 : memref<1x80x128xf32, #tpu.memory_space<vmem>> -> memref<80x128xf32, #tpu.memory_space<vmem>>
      %dma_start3A_133 = arith.constant 0 : i32
      %dma_start3A_134 = tpu.memref_slice %arg7[%add3A_126, %dma_start3A_133] : memref<125x80xi32, #tpu.memory_space<vmem>> -> memref<1x80xi32, #tpu.memory_space<vmem>>
      %dma_start3A_135 = tpu.memref_squeeze %dma_start3A_134 : memref<1x80xi32, #tpu.memory_space<vmem>> -> memref<80xi32, #tpu.memory_space<vmem>>
      %dma_start3A_136 = arith.constant 0 : i32
      %dma_start3A_137 = arith.constant 0 : i32
      %dma_start3A_138 = tpu.memref_slice %arg2[%dma_start3A_136, %dma_start3A_137] : memref<10000x128xf32, #tpu.memory_space<hbm>> -> memref<10000x128xf32, #tpu.memory_space<hbm>>
      %dma_start3A_139 = tpu.memref_slice %arg10[%dma_start3A_128] : memref<3x!tpu.dma_semaphore, #tpu.memory_space<semaphore_mem>> -> memref<1x!tpu.dma_semaphore, #tpu.memory_space<semaphore_mem>>
      %dma_start3A_140 = tpu.memref_squeeze %dma_start3A_139 : memref<1x!tpu.dma_semaphore, #tpu.memory_space<semaphore_mem>> -> memref<!tpu.dma_semaphore, #tpu.memory_space<semaphore_mem>>
      tpu.enqueue_indirect_dma source(%dma_start3A_138 : memref<10000x128xf32, #tpu.memory_space<hbm>>) target(%dma_start3A_132 : memref<80x128xf32, #tpu.memory_space<vmem>>) offsets(%dma_start3A_135 : memref<80xi32, #tpu.memory_space<vmem>>) semaphore(%dma_start3A_140 : memref<!tpu.dma_semaphore, #tpu.memory_space<semaphore_mem>>)
      %add3A_141 = arith.constant 0 : i32
      %add3A_142 = arith.addi %add3A_80, %add3A_141 : i32
      %dma_wait3A_143 = arith.constant 0 : i32
      %dma_wait3A_144 = arith.constant 0 : i32
      %dma_wait3A_145 = arith.constant 0 : i32
      %dma_wait3A_146 = arith.constant 0 : i32
      %dma_wait3A_147 = tpu.memref_slice %arg9[%dma_wait3A_143, %dma_wait3A_145, %dma_wait3A_146] : memref<3x80x128xf32, #tpu.memory_space<vmem>> -> memref<1x80x128xf32, #tpu.memory_space<vmem>>
      %dma_wait3A_148 = tpu.memref_squeeze %dma_wait3A_147 : memref<1x80x128xf32, #tpu.memory_space<vmem>> -> memref<80x128xf32, #tpu.memory_space<vmem>>
      %dma_wait3A_149 = arith.constant 0 : i32
      %dma_wait3A_150 = tpu.memref_slice %arg7[%add3A_142, %dma_wait3A_149] : memref<125x80xi32, #tpu.memory_space<vmem>> -> memref<1x80xi32, #tpu.memory_space<vmem>>
      %dma_wait3A_151 = tpu.memref_squeeze %dma_wait3A_150 : memref<1x80xi32, #tpu.memory_space<vmem>> -> memref<80xi32, #tpu.memory_space<vmem>>
      %dma_wait3A_152 = arith.constant 0 : i32
      %dma_wait3A_153 = arith.constant 0 : i32
      %dma_wait3A_154 = tpu.memref_slice %arg2[%dma_wait3A_152, %dma_wait3A_153] : memref<10000x128xf32, #tpu.memory_space<hbm>> -> memref<10000x128xf32, #tpu.memory_space<hbm>>
      %dma_wait3A_155 = tpu.memref_slice %arg10[%dma_wait3A_144] : memref<3x!tpu.dma_semaphore, #tpu.memory_space<semaphore_mem>> -> memref<1x!tpu.dma_semaphore, #tpu.memory_space<semaphore_mem>>
      %dma_wait3A_156 = tpu.memref_squeeze %dma_wait3A_155 : memref<1x!tpu.dma_semaphore, #tpu.memory_space<semaphore_mem>> -> memref<!tpu.dma_semaphore, #tpu.memory_space<semaphore_mem>>
      tpu.wait_indirect_dma semaphore(%dma_wait3A_156 : memref<!tpu.dma_semaphore, #tpu.memory_space<semaphore_mem>>) src(%dma_wait3A_154 : memref<10000x128xf32, #tpu.memory_space<hbm>>) dst(%dma_wait3A_148 : memref<80x128xf32, #tpu.memory_space<vmem>>)
      %add3A_157 = arith.constant 0 : i32
      %add3A_158 = arith.addi %add3A_80, %add3A_157 : i32
      %dma_start3A_159 = arith.constant 0 : i32
      %dma_start3A_160 = arith.constant 0 : i32
      %dma_start3A_161 = arith.constant 0 : i32
      %dma_start3A_162 = arith.constant 0 : i32
      %dma_start3A_163 = tpu.memref_slice %arg9[%dma_start3A_159, %dma_start3A_161, %dma_start3A_162] : memref<3x80x128xf32, #tpu.memory_space<vmem>> -> memref<1x80x128xf32, #tpu.memory_space<vmem>>
      %dma_start3A_164 = tpu.memref_squeeze %dma_start3A_163 : memref<1x80x128xf32, #tpu.memory_space<vmem>> -> memref<80x128xf32, #tpu.memory_space<vmem>>
      %dma_start3A_165 = arith.constant 0 : i32
      %dma_start3A_166 = tpu.memref_slice %arg8[%add3A_158, %dma_start3A_165] : memref<125x80xi32, #tpu.memory_space<vmem>> -> memref<1x80xi32, #tpu.memory_space<vmem>>
      %dma_start3A_167 = tpu.memref_squeeze %dma_start3A_166 : memref<1x80xi32, #tpu.memory_space<vmem>> -> memref<80xi32, #tpu.memory_space<vmem>>
      %dma_start3A_168 = arith.constant 0 : i32
      %dma_start3A_169 = arith.constant 0 : i32
      %dma_start3A_170 = tpu.memref_slice %arg6[%dma_start3A_168, %dma_start3A_169] : memref<10000x128xf32, #tpu.memory_space<vmem_shared>> -> memref<10000x128xf32, #tpu.memory_space<vmem_shared>>
      %dma_start3A_171 = tpu.memref_slice %arg11[%dma_start3A_160] : memref<3x!tpu.dma_semaphore, #tpu.memory_space<semaphore_mem>> -> memref<1x!tpu.dma_semaphore, #tpu.memory_space<semaphore_mem>>
      %dma_start3A_172 = tpu.memref_squeeze %dma_start3A_171 : memref<1x!tpu.dma_semaphore, #tpu.memory_space<semaphore_mem>> -> memref<!tpu.dma_semaphore, #tpu.memory_space<semaphore_mem>>
      tpu.enqueue_indirect_dma source(%dma_start3A_164 : memref<80x128xf32, #tpu.memory_space<vmem>>) target(%dma_start3A_170 : memref<10000x128xf32, #tpu.memory_space<vmem_shared>>) offsets(%dma_start3A_167 : memref<80xi32, #tpu.memory_space<vmem>>) semaphore(%dma_start3A_172 : memref<!tpu.dma_semaphore, #tpu.memory_space<semaphore_mem>>) {add = true}
      %add3A_173 = arith.constant 1 : i32
      %add3A_174 = arith.addi %add3A_80, %add3A_173 : i32
      %dma_wait3A_175 = arith.constant 1 : i32
      %dma_wait3A_176 = arith.constant 1 : i32
      %dma_wait3A_177 = arith.constant 0 : i32
      %dma_wait3A_178 = arith.constant 0 : i32
      %dma_wait3A_179 = tpu.memref_slice %arg9[%dma_wait3A_175, %dma_wait3A_177, %dma_wait3A_178] : memref<3x80x128xf32, #tpu.memory_space<vmem>> -> memref<1x80x128xf32, #tpu.memory_space<vmem>>
      %dma_wait3A_180 = tpu.memref_squeeze %dma_wait3A_179 : memref<1x80x128xf32, #tpu.memory_space<vmem>> -> memref<80x128xf32, #tpu.memory_space<vmem>>
      %dma_wait3A_181 = arith.constant 0 : i32
      %dma_wait3A_182 = tpu.memref_slice %arg7[%add3A_174, %dma_wait3A_181] : memref<125x80xi32, #tpu.memory_space<vmem>> -> memref<1x80xi32, #tpu.memory_space<vmem>>
      %dma_wait3A_183 = tpu.memref_squeeze %dma_wait3A_182 : memref<1x80xi32, #tpu.memory_space<vmem>> -> memref<80xi32, #tpu.memory_space<vmem>>
      %dma_wait3A_184 = arith.constant 0 : i32
      %dma_wait3A_185 = arith.constant 0 : i32
      %dma_wait3A_186 = tpu.memref_slice %arg2[%dma_wait3A_184, %dma_wait3A_185] : memref<10000x128xf32, #tpu.memory_space<hbm>> -> memref<10000x128xf32, #tpu.memory_space<hbm>>
      %dma_wait3A_187 = tpu.memref_slice %arg10[%dma_wait3A_176] : memref<3x!tpu.dma_semaphore, #tpu.memory_space<semaphore_mem>> -> memref<1x!tpu.dma_semaphore, #tpu.memory_space<semaphore_mem>>
      %dma_wait3A_188 = tpu.memref_squeeze %dma_wait3A_187 : memref<1x!tpu.dma_semaphore, #tpu.memory_space<semaphore_mem>> -> memref<!tpu.dma_semaphore, #tpu.memory_space<semaphore_mem>>
      tpu.wait_indirect_dma semaphore(%dma_wait3A_188 : memref<!tpu.dma_semaphore, #tpu.memory_space<semaphore_mem>>) src(%dma_wait3A_186 : memref<10000x128xf32, #tpu.memory_space<hbm>>) dst(%dma_wait3A_180 : memref<80x128xf32, #tpu.memory_space<vmem>>)
      %add3A_189 = arith.constant 1 : i32
      %add3A_190 = arith.addi %add3A_80, %add3A_189 : i32
      %dma_start3A_191 = arith.constant 1 : i32
      %dma_start3A_192 = arith.constant 1 : i32
      %dma_start3A_193 = arith.constant 0 : i32
      %dma_start3A_194 = arith.constant 0 : i32
      %dma_start3A_195 = tpu.memref_slice %arg9[%dma_start3A_191, %dma_start3A_193, %dma_start3A_194] : memref<3x80x128xf32, #tpu.memory_space<vmem>> -> memref<1x80x128xf32, #tpu.memory_space<vmem>>
      %dma_start3A_196 = tpu.memref_squeeze %dma_start3A_195 : memref<1x80x128xf32, #tpu.memory_space<vmem>> -> memref<80x128xf32, #tpu.memory_space<vmem>>
      %dma_start3A_197 = arith.constant 0 : i32
      %dma_start3A_198 = tpu.memref_slice %arg8[%add3A_190, %dma_start3A_197] : memref<125x80xi32, #tpu.memory_space<vmem>> -> memref<1x80xi32, #tpu.memory_space<vmem>>
      %dma_start3A_199 = tpu.memref_squeeze %dma_start3A_198 : memref<1x80xi32, #tpu.memory_space<vmem>> -> memref<80xi32, #tpu.memory_space<vmem>>
      %dma_start3A_200 = arith.constant 0 : i32
      %dma_start3A_201 = arith.constant 0 : i32
      %dma_start3A_202 = tpu.memref_slice %arg6[%dma_start3A_200, %dma_start3A_201] : memref<10000x128xf32, #tpu.memory_space<vmem_shared>> -> memref<10000x128xf32, #tpu.memory_space<vmem_shared>>
      %dma_start3A_203 = tpu.memref_slice %arg11[%dma_start3A_192] : memref<3x!tpu.dma_semaphore, #tpu.memory_space<semaphore_mem>> -> memref<1x!tpu.dma_semaphore, #tpu.memory_space<semaphore_mem>>
      %dma_start3A_204 = tpu.memref_squeeze %dma_start3A_203 : memref<1x!tpu.dma_semaphore, #tpu.memory_space<semaphore_mem>> -> memref<!tpu.dma_semaphore, #tpu.memory_space<semaphore_mem>>
      tpu.enqueue_indirect_dma source(%dma_start3A_196 : memref<80x128xf32, #tpu.memory_space<vmem>>) target(%dma_start3A_202 : memref<10000x128xf32, #tpu.memory_space<vmem_shared>>) offsets(%dma_start3A_199 : memref<80xi32, #tpu.memory_space<vmem>>) semaphore(%dma_start3A_204 : memref<!tpu.dma_semaphore, #tpu.memory_space<semaphore_mem>>) {add = true}
      %add3A_205 = arith.constant 2 : i32
      %add3A_206 = arith.addi %add3A_80, %add3A_205 : i32
      %dma_wait3A_207 = arith.constant 2 : i32
      %dma_wait3A_208 = arith.constant 2 : i32
      %dma_wait3A_209 = arith.constant 0 : i32
      %dma_wait3A_210 = arith.constant 0 : i32
      %dma_wait3A_211 = tpu.memref_slice %arg9[%dma_wait3A_207, %dma_wait3A_209, %dma_wait3A_210] : memref<3x80x128xf32, #tpu.memory_space<vmem>> -> memref<1x80x128xf32, #tpu.memory_space<vmem>>
      %dma_wait3A_212 = tpu.memref_squeeze %dma_wait3A_211 : memref<1x80x128xf32, #tpu.memory_space<vmem>> -> memref<80x128xf32, #tpu.memory_space<vmem>>
      %dma_wait3A_213 = arith.constant 0 : i32
      %dma_wait3A_214 = tpu.memref_slice %arg7[%add3A_206, %dma_wait3A_213] : memref<125x80xi32, #tpu.memory_space<vmem>> -> memref<1x80xi32, #tpu.memory_space<vmem>>
      %dma_wait3A_215 = tpu.memref_squeeze %dma_wait3A_214 : memref<1x80xi32, #tpu.memory_space<vmem>> -> memref<80xi32, #tpu.memory_space<vmem>>
      %dma_wait3A_216 = arith.constant 0 : i32
      %dma_wait3A_217 = arith.constant 0 : i32
      %dma_wait3A_218 = tpu.memref_slice %arg2[%dma_wait3A_216, %dma_wait3A_217] : memref<10000x128xf32, #tpu.memory_space<hbm>> -> memref<10000x128xf32, #tpu.memory_space<hbm>>
      %dma_wait3A_219 = tpu.memref_slice %arg10[%dma_wait3A_208] : memref<3x!tpu.dma_semaphore, #tpu.memory_space<semaphore_mem>> -> memref<1x!tpu.dma_semaphore, #tpu.memory_space<semaphore_mem>>
      %dma_wait3A_220 = tpu.memref_squeeze %dma_wait3A_219 : memref<1x!tpu.dma_semaphore, #tpu.memory_space<semaphore_mem>> -> memref<!tpu.dma_semaphore, #tpu.memory_space<semaphore_mem>>
      tpu.wait_indirect_dma semaphore(%dma_wait3A_220 : memref<!tpu.dma_semaphore, #tpu.memory_space<semaphore_mem>>) src(%dma_wait3A_218 : memref<10000x128xf32, #tpu.memory_space<hbm>>) dst(%dma_wait3A_212 : memref<80x128xf32, #tpu.memory_space<vmem>>)
      %add3A_221 = arith.constant 2 : i32
      %add3A_222 = arith.addi %add3A_80, %add3A_221 : i32
      %dma_start3A_223 = arith.constant 2 : i32
      %dma_start3A_224 = arith.constant 2 : i32
      %dma_start3A_225 = arith.constant 0 : i32
      %dma_start3A_226 = arith.constant 0 : i32
      %dma_start3A_227 = tpu.memref_slice %arg9[%dma_start3A_223, %dma_start3A_225, %dma_start3A_226] : memref<3x80x128xf32, #tpu.memory_space<vmem>> -> memref<1x80x128xf32, #tpu.memory_space<vmem>>
      %dma_start3A_228 = tpu.memref_squeeze %dma_start3A_227 : memref<1x80x128xf32, #tpu.memory_space<vmem>> -> memref<80x128xf32, #tpu.memory_space<vmem>>
      %dma_start3A_229 = arith.constant 0 : i32
      %dma_start3A_230 = tpu.memref_slice %arg8[%add3A_222, %dma_start3A_229] : memref<125x80xi32, #tpu.memory_space<vmem>> -> memref<1x80xi32, #tpu.memory_space<vmem>>
      %dma_start3A_231 = tpu.memref_squeeze %dma_start3A_230 : memref<1x80xi32, #tpu.memory_space<vmem>> -> memref<80xi32, #tpu.memory_space<vmem>>
      %dma_start3A_232 = arith.constant 0 : i32
      %dma_start3A_233 = arith.constant 0 : i32
      %dma_start3A_234 = tpu.memref_slice %arg6[%dma_start3A_232, %dma_start3A_233] : memref<10000x128xf32, #tpu.memory_space<vmem_shared>> -> memref<10000x128xf32, #tpu.memory_space<vmem_shared>>
      %dma_start3A_235 = tpu.memref_slice %arg11[%dma_start3A_224] : memref<3x!tpu.dma_semaphore, #tpu.memory_space<semaphore_mem>> -> memref<1x!tpu.dma_semaphore, #tpu.memory_space<semaphore_mem>>
      %dma_start3A_236 = tpu.memref_squeeze %dma_start3A_235 : memref<1x!tpu.dma_semaphore, #tpu.memory_space<semaphore_mem>> -> memref<!tpu.dma_semaphore, #tpu.memory_space<semaphore_mem>>
      tpu.enqueue_indirect_dma source(%dma_start3A_228 : memref<80x128xf32, #tpu.memory_space<vmem>>) target(%dma_start3A_234 : memref<10000x128xf32, #tpu.memory_space<vmem_shared>>) offsets(%dma_start3A_231 : memref<80xi32, #tpu.memory_space<vmem>>) semaphore(%dma_start3A_236 : memref<!tpu.dma_semaphore, #tpu.memory_space<semaphore_mem>>) {add = true}
    }
    %scan3A_17 = arith.constant 41 : i32
    %dma_wait3A_18 = arith.constant 0 : i32
    %dma_wait3A_19 = arith.constant 120 : i32
    %dma_wait3A_20 = arith.constant 0 : i32
    %dma_wait3A_21 = arith.constant 0 : i32
    %dma_wait3A_22 = arith.constant 0 : i32
    %dma_wait3A_23 = tpu.memref_slice %arg9[%dma_wait3A_18, %dma_wait3A_21, %dma_wait3A_22] : memref<3x80x128xf32, #tpu.memory_space<vmem>> -> memref<1x80x128xf32, #tpu.memory_space<vmem>>
    %dma_wait3A_24 = tpu.memref_squeeze %dma_wait3A_23 : memref<1x80x128xf32, #tpu.memory_space<vmem>> -> memref<80x128xf32, #tpu.memory_space<vmem>>
    %dma_wait3A_25 = arith.constant 0 : i32
    %dma_wait3A_26 = tpu.memref_slice %arg8[%dma_wait3A_19, %dma_wait3A_25] : memref<125x80xi32, #tpu.memory_space<vmem>> -> memref<1x80xi32, #tpu.memory_space<vmem>>
    %dma_wait3A_27 = tpu.memref_squeeze %dma_wait3A_26 : memref<1x80xi32, #tpu.memory_space<vmem>> -> memref<80xi32, #tpu.memory_space<vmem>>
    %dma_wait3A_28 = arith.constant 0 : i32
    %dma_wait3A_29 = arith.constant 0 : i32
    %dma_wait3A_30 = tpu.memref_slice %arg6[%dma_wait3A_28, %dma_wait3A_29] : memref<10000x128xf32, #tpu.memory_space<vmem_shared>> -> memref<10000x128xf32, #tpu.memory_space<vmem_shared>>
    %dma_wait3A_31 = tpu.memref_slice %arg11[%dma_wait3A_20] : memref<3x!tpu.dma_semaphore, #tpu.memory_space<semaphore_mem>> -> memref<1x!tpu.dma_semaphore, #tpu.memory_space<semaphore_mem>>
    %dma_wait3A_32 = tpu.memref_squeeze %dma_wait3A_31 : memref<1x!tpu.dma_semaphore, #tpu.memory_space<semaphore_mem>> -> memref<!tpu.dma_semaphore, #tpu.memory_space<semaphore_mem>>
    tpu.wait_indirect_dma semaphore(%dma_wait3A_32 : memref<!tpu.dma_semaphore, #tpu.memory_space<semaphore_mem>>) src(%dma_wait3A_24 : memref<80x128xf32, #tpu.memory_space<vmem>>) dst(%dma_wait3A_30 : memref<10000x128xf32, #tpu.memory_space<vmem_shared>>)
    %dma_wait3A_33 = arith.constant 1 : i32
    %dma_wait3A_34 = arith.constant 121 : i32
    %dma_wait3A_35 = arith.constant 1 : i32
    %dma_wait3A_36 = arith.constant 0 : i32
    %dma_wait3A_37 = arith.constant 0 : i32
    %dma_wait3A_38 = tpu.memref_slice %arg9[%dma_wait3A_33, %dma_wait3A_36, %dma_wait3A_37] : memref<3x80x128xf32, #tpu.memory_space<vmem>> -> memref<1x80x128xf32, #tpu.memory_space<vmem>>
    %dma_wait3A_39 = tpu.memref_squeeze %dma_wait3A_38 : memref<1x80x128xf32, #tpu.memory_space<vmem>> -> memref<80x128xf32, #tpu.memory_space<vmem>>
    %dma_wait3A_40 = arith.constant 0 : i32
    %dma_wait3A_41 = tpu.memref_slice %arg8[%dma_wait3A_34, %dma_wait3A_40] : memref<125x80xi32, #tpu.memory_space<vmem>> -> memref<1x80xi32, #tpu.memory_space<vmem>>
    %dma_wait3A_42 = tpu.memref_squeeze %dma_wait3A_41 : memref<1x80xi32, #tpu.memory_space<vmem>> -> memref<80xi32, #tpu.memory_space<vmem>>
    %dma_wait3A_43 = arith.constant 0 : i32
    %dma_wait3A_44 = arith.constant 0 : i32
    %dma_wait3A_45 = tpu.memref_slice %arg6[%dma_wait3A_43, %dma_wait3A_44] : memref<10000x128xf32, #tpu.memory_space<vmem_shared>> -> memref<10000x128xf32, #tpu.memory_space<vmem_shared>>
    %dma_wait3A_46 = tpu.memref_slice %arg11[%dma_wait3A_35] : memref<3x!tpu.dma_semaphore, #tpu.memory_space<semaphore_mem>> -> memref<1x!tpu.dma_semaphore, #tpu.memory_space<semaphore_mem>>
    %dma_wait3A_47 = tpu.memref_squeeze %dma_wait3A_46 : memref<1x!tpu.dma_semaphore, #tpu.memory_space<semaphore_mem>> -> memref<!tpu.dma_semaphore, #tpu.memory_space<semaphore_mem>>
    tpu.wait_indirect_dma semaphore(%dma_wait3A_47 : memref<!tpu.dma_semaphore, #tpu.memory_space<semaphore_mem>>) src(%dma_wait3A_39 : memref<80x128xf32, #tpu.memory_space<vmem>>) dst(%dma_wait3A_45 : memref<10000x128xf32, #tpu.memory_space<vmem_shared>>)
    %dma_wait3A_48 = arith.constant 2 : i32
    %dma_wait3A_49 = arith.constant 122 : i32
    %dma_wait3A_50 = arith.constant 2 : i32
    %dma_wait3A_51 = arith.constant 0 : i32
    %dma_wait3A_52 = arith.constant 0 : i32
    %dma_wait3A_53 = tpu.memref_slice %arg9[%dma_wait3A_48, %dma_wait3A_51, %dma_wait3A_52] : memref<3x80x128xf32, #tpu.memory_space<vmem>> -> memref<1x80x128xf32, #tpu.memory_space<vmem>>
    %dma_wait3A_54 = tpu.memref_squeeze %dma_wait3A_53 : memref<1x80x128xf32, #tpu.memory_space<vmem>> -> memref<80x128xf32, #tpu.memory_space<vmem>>
    %dma_wait3A_55 = arith.constant 0 : i32
    %dma_wait3A_56 = tpu.memref_slice %arg8[%dma_wait3A_49, %dma_wait3A_55] : memref<125x80xi32, #tpu.memory_space<vmem>> -> memref<1x80xi32, #tpu.memory_space<vmem>>
    %dma_wait3A_57 = tpu.memref_squeeze %dma_wait3A_56 : memref<1x80xi32, #tpu.memory_space<vmem>> -> memref<80xi32, #tpu.memory_space<vmem>>
    %dma_wait3A_58 = arith.constant 0 : i32
    %dma_wait3A_59 = arith.constant 0 : i32
    %dma_wait3A_60 = tpu.memref_slice %arg6[%dma_wait3A_58, %dma_wait3A_59] : memref<10000x128xf32, #tpu.memory_space<vmem_shared>> -> memref<10000x128xf32, #tpu.memory_space<vmem_shared>>
    %dma_wait3A_61 = tpu.memref_slice %arg11[%dma_wait3A_50] : memref<3x!tpu.dma_semaphore, #tpu.memory_space<semaphore_mem>> -> memref<1x!tpu.dma_semaphore, #tpu.memory_space<semaphore_mem>>
    %dma_wait3A_62 = tpu.memref_squeeze %dma_wait3A_61 : memref<1x!tpu.dma_semaphore, #tpu.memory_space<semaphore_mem>> -> memref<!tpu.dma_semaphore, #tpu.memory_space<semaphore_mem>>
    tpu.wait_indirect_dma semaphore(%dma_wait3A_62 : memref<!tpu.dma_semaphore, #tpu.memory_space<semaphore_mem>>) src(%dma_wait3A_54 : memref<80x128xf32, #tpu.memory_space<vmem>>) dst(%dma_wait3A_60 : memref<10000x128xf32, #tpu.memory_space<vmem_shared>>)
    %run_scoped3A_63 = arith.constant 123 : i32
    %run_scoped3A_64 = arith.constant 0 : i32
    "tpu.region"() ({
      %run_scoped3A_76 = tpu.sem_alloc : memref<!tpu.dma_semaphore, #tpu.memory_space<semaphore_mem>>
      %dma_start3A_77 = arith.constant 0 : i32
      %dma_start3A_78 = arith.constant 0 : i32
      %dma_start3A_79 = tpu.memref_slice %arg9[%run_scoped3A_64, %dma_start3A_77, %dma_start3A_78] : memref<3x80x128xf32, #tpu.memory_space<vmem>> -> memref<1x80x128xf32, #tpu.memory_space<vmem>>
      %dma_start3A_80 = tpu.memref_squeeze %dma_start3A_79 : memref<1x80x128xf32, #tpu.memory_space<vmem>> -> memref<80x128xf32, #tpu.memory_space<vmem>>
      %dma_start3A_81 = arith.constant 0 : i32
      %dma_start3A_82 = tpu.memref_slice %arg7[%run_scoped3A_63, %dma_start3A_81] : memref<125x80xi32, #tpu.memory_space<vmem>> -> memref<1x80xi32, #tpu.memory_space<vmem>>
      %dma_start3A_83 = tpu.memref_squeeze %dma_start3A_82 : memref<1x80xi32, #tpu.memory_space<vmem>> -> memref<80xi32, #tpu.memory_space<vmem>>
      %dma_start3A_84 = arith.constant 0 : i32
      %dma_start3A_85 = arith.constant 0 : i32
      %dma_start3A_86 = tpu.memref_slice %arg2[%dma_start3A_84, %dma_start3A_85] : memref<10000x128xf32, #tpu.memory_space<hbm>> -> memref<10000x128xf32, #tpu.memory_space<hbm>>
      tpu.enqueue_indirect_dma source(%dma_start3A_86 : memref<10000x128xf32, #tpu.memory_space<hbm>>) target(%dma_start3A_80 : memref<80x128xf32, #tpu.memory_space<vmem>>) offsets(%dma_start3A_83 : memref<80xi32, #tpu.memory_space<vmem>>) semaphore(%run_scoped3A_76 : memref<!tpu.dma_semaphore, #tpu.memory_space<semaphore_mem>>)
      %dma_wait3A_87 = arith.constant 0 : i32
      %dma_wait3A_88 = arith.constant 0 : i32
      %dma_wait3A_89 = tpu.memref_slice %arg9[%run_scoped3A_64, %dma_wait3A_87, %dma_wait3A_88] : memref<3x80x128xf32, #tpu.memory_space<vmem>> -> memref<1x80x128xf32, #tpu.memory_space<vmem>>
      %dma_wait3A_90 = tpu.memref_squeeze %dma_wait3A_89 : memref<1x80x128xf32, #tpu.memory_space<vmem>> -> memref<80x128xf32, #tpu.memory_space<vmem>>
      %dma_wait3A_91 = arith.constant 0 : i32
      %dma_wait3A_92 = tpu.memref_slice %arg7[%run_scoped3A_63, %dma_wait3A_91] : memref<125x80xi32, #tpu.memory_space<vmem>> -> memref<1x80xi32, #tpu.memory_space<vmem>>
      %dma_wait3A_93 = tpu.memref_squeeze %dma_wait3A_92 : memref<1x80xi32, #tpu.memory_space<vmem>> -> memref<80xi32, #tpu.memory_space<vmem>>
      %dma_wait3A_94 = arith.constant 0 : i32
      %dma_wait3A_95 = arith.constant 0 : i32
      %dma_wait3A_96 = tpu.memref_slice %arg2[%dma_wait3A_94, %dma_wait3A_95] : memref<10000x128xf32, #tpu.memory_space<hbm>> -> memref<10000x128xf32, #tpu.memory_space<hbm>>
      tpu.wait_indirect_dma semaphore(%run_scoped3A_76 : memref<!tpu.dma_semaphore, #tpu.memory_space<semaphore_mem>>) src(%dma_wait3A_96 : memref<10000x128xf32, #tpu.memory_space<hbm>>) dst(%dma_wait3A_90 : memref<80x128xf32, #tpu.memory_space<vmem>>)
      tpu.yield
    }) : () -> ()
    %run_scoped3A_65 = arith.constant 0 : i32
    %run_scoped3A_66 = arith.constant 123 : i32
    "tpu.region"() ({
      %run_scoped3A_76 = tpu.sem_alloc : memref<!tpu.dma_semaphore, #tpu.memory_space<semaphore_mem>>
      %dma_start3A_77 = arith.constant 0 : i32
      %dma_start3A_78 = arith.constant 0 : i32
      %dma_start3A_79 = tpu.memref_slice %arg9[%run_scoped3A_65, %dma_start3A_77, %dma_start3A_78] : memref<3x80x128xf32, #tpu.memory_space<vmem>> -> memref<1x80x128xf32, #tpu.memory_space<vmem>>
      %dma_start3A_80 = tpu.memref_squeeze %dma_start3A_79 : memref<1x80x128xf32, #tpu.memory_space<vmem>> -> memref<80x128xf32, #tpu.memory_space<vmem>>
      %dma_start3A_81 = arith.constant 0 : i32
      %dma_start3A_82 = tpu.memref_slice %arg8[%run_scoped3A_66, %dma_start3A_81] : memref<125x80xi32, #tpu.memory_space<vmem>> -> memref<1x80xi32, #tpu.memory_space<vmem>>
      %dma_start3A_83 = tpu.memref_squeeze %dma_start3A_82 : memref<1x80xi32, #tpu.memory_space<vmem>> -> memref<80xi32, #tpu.memory_space<vmem>>
      %dma_start3A_84 = arith.constant 0 : i32
      %dma_start3A_85 = arith.constant 0 : i32
      %dma_start3A_86 = tpu.memref_slice %arg6[%dma_start3A_84, %dma_start3A_85] : memref<10000x128xf32, #tpu.memory_space<vmem_shared>> -> memref<10000x128xf32, #tpu.memory_space<vmem_shared>>
      tpu.enqueue_indirect_dma source(%dma_start3A_80 : memref<80x128xf32, #tpu.memory_space<vmem>>) target(%dma_start3A_86 : memref<10000x128xf32, #tpu.memory_space<vmem_shared>>) offsets(%dma_start3A_83 : memref<80xi32, #tpu.memory_space<vmem>>) semaphore(%run_scoped3A_76 : memref<!tpu.dma_semaphore, #tpu.memory_space<semaphore_mem>>) {add = true}
      %dma_wait3A_87 = arith.constant 0 : i32
      %dma_wait3A_88 = arith.constant 0 : i32
      %dma_wait3A_89 = tpu.memref_slice %arg9[%run_scoped3A_65, %dma_wait3A_87, %dma_wait3A_88] : memref<3x80x128xf32, #tpu.memory_space<vmem>> -> memref<1x80x128xf32, #tpu.memory_space<vmem>>
      %dma_wait3A_90 = tpu.memref_squeeze %dma_wait3A_89 : memref<1x80x128xf32, #tpu.memory_space<vmem>> -> memref<80x128xf32, #tpu.memory_space<vmem>>
      %dma_wait3A_91 = arith.constant 0 : i32
      %dma_wait3A_92 = tpu.memref_slice %arg8[%run_scoped3A_66, %dma_wait3A_91] : memref<125x80xi32, #tpu.memory_space<vmem>> -> memref<1x80xi32, #tpu.memory_space<vmem>>
      %dma_wait3A_93 = tpu.memref_squeeze %dma_wait3A_92 : memref<1x80xi32, #tpu.memory_space<vmem>> -> memref<80xi32, #tpu.memory_space<vmem>>
      %dma_wait3A_94 = arith.constant 0 : i32
      %dma_wait3A_95 = arith.constant 0 : i32
      %dma_wait3A_96 = tpu.memref_slice %arg6[%dma_wait3A_94, %dma_wait3A_95] : memref<10000x128xf32, #tpu.memory_space<vmem_shared>> -> memref<10000x128xf32, #tpu.memory_space<vmem_shared>>
      tpu.wait_indirect_dma semaphore(%run_scoped3A_76 : memref<!tpu.dma_semaphore, #tpu.memory_space<semaphore_mem>>) src(%dma_wait3A_90 : memref<80x128xf32, #tpu.memory_space<vmem>>) dst(%dma_wait3A_96 : memref<10000x128xf32, #tpu.memory_space<vmem_shared>>)
      tpu.yield
    }) : () -> ()
    %run_scoped3A_67 = arith.constant 124 : i32
    %run_scoped3A_68 = arith.constant 0 : i32
    "tpu.region"() ({
      %run_scoped3A_76 = tpu.sem_alloc : memref<!tpu.dma_semaphore, #tpu.memory_space<semaphore_mem>>
      %dma_start3A_77 = arith.constant 0 : i32
      %dma_start3A_78 = arith.constant 0 : i32
      %dma_start3A_79 = tpu.memref_slice %arg9[%run_scoped3A_68, %dma_start3A_77, %dma_start3A_78] : memref<3x80x128xf32, #tpu.memory_space<vmem>> -> memref<1x80x128xf32, #tpu.memory_space<vmem>>
      %dma_start3A_80 = tpu.memref_squeeze %dma_start3A_79 : memref<1x80x128xf32, #tpu.memory_space<vmem>> -> memref<80x128xf32, #tpu.memory_space<vmem>>
      %dma_start3A_81 = arith.constant 0 : i32
      %dma_start3A_82 = tpu.memref_slice %arg7[%run_scoped3A_67, %dma_start3A_81] : memref<125x80xi32, #tpu.memory_space<vmem>> -> memref<1x80xi32, #tpu.memory_space<vmem>>
      %dma_start3A_83 = tpu.memref_squeeze %dma_start3A_82 : memref<1x80xi32, #tpu.memory_space<vmem>> -> memref<80xi32, #tpu.memory_space<vmem>>
      %dma_start3A_84 = arith.constant 0 : i32
      %dma_start3A_85 = arith.constant 0 : i32
      %dma_start3A_86 = tpu.memref_slice %arg2[%dma_start3A_84, %dma_start3A_85] : memref<10000x128xf32, #tpu.memory_space<hbm>> -> memref<10000x128xf32, #tpu.memory_space<hbm>>
      tpu.enqueue_indirect_dma source(%dma_start3A_86 : memref<10000x128xf32, #tpu.memory_space<hbm>>) target(%dma_start3A_80 : memref<80x128xf32, #tpu.memory_space<vmem>>) offsets(%dma_start3A_83 : memref<80xi32, #tpu.memory_space<vmem>>) semaphore(%run_scoped3A_76 : memref<!tpu.dma_semaphore, #tpu.memory_space<semaphore_mem>>)
      %dma_wait3A_87 = arith.constant 0 : i32
      %dma_wait3A_88 = arith.constant 0 : i32
      %dma_wait3A_89 = tpu.memref_slice %arg9[%run_scoped3A_68, %dma_wait3A_87, %dma_wait3A_88] : memref<3x80x128xf32, #tpu.memory_space<vmem>> -> memref<1x80x128xf32, #tpu.memory_space<vmem>>
      %dma_wait3A_90 = tpu.memref_squeeze %dma_wait3A_89 : memref<1x80x128xf32, #tpu.memory_space<vmem>> -> memref<80x128xf32, #tpu.memory_space<vmem>>
      %dma_wait3A_91 = arith.constant 0 : i32
      %dma_wait3A_92 = tpu.memref_slice %arg7[%run_scoped3A_67, %dma_wait3A_91] : memref<125x80xi32, #tpu.memory_space<vmem>> -> memref<1x80xi32, #tpu.memory_space<vmem>>
      %dma_wait3A_93 = tpu.memref_squeeze %dma_wait3A_92 : memref<1x80xi32, #tpu.memory_space<vmem>> -> memref<80xi32, #tpu.memory_space<vmem>>
      %dma_wait3A_94 = arith.constant 0 : i32
      %dma_wait3A_95 = arith.constant 0 : i32
      %dma_wait3A_96 = tpu.memref_slice %arg2[%dma_wait3A_94, %dma_wait3A_95] : memref<10000x128xf32, #tpu.memory_space<hbm>> -> memref<10000x128xf32, #tpu.memory_space<hbm>>
      tpu.wait_indirect_dma semaphore(%run_scoped3A_76 : memref<!tpu.dma_semaphore, #tpu.memory_space<semaphore_mem>>) src(%dma_wait3A_96 : memref<10000x128xf32, #tpu.memory_space<hbm>>) dst(%dma_wait3A_90 : memref<80x128xf32, #tpu.memory_space<vmem>>)
      tpu.yield
    }) : () -> ()
    %run_scoped3A_69 = arith.constant 0 : i32
    %run_scoped3A_70 = arith.constant 124 : i32
    "tpu.region"() ({
      %run_scoped3A_76 = tpu.sem_alloc : memref<!tpu.dma_semaphore, #tpu.memory_space<semaphore_mem>>
      %dma_start3A_77 = arith.constant 0 : i32
      %dma_start3A_78 = arith.constant 0 : i32
      %dma_start3A_79 = tpu.memref_slice %arg9[%run_scoped3A_69, %dma_start3A_77, %dma_start3A_78] : memref<3x80x128xf32, #tpu.memory_space<vmem>> -> memref<1x80x128xf32, #tpu.memory_space<vmem>>
      %dma_start3A_80 = tpu.memref_squeeze %dma_start3A_79 : memref<1x80x128xf32, #tpu.memory_space<vmem>> -> memref<80x128xf32, #tpu.memory_space<vmem>>
      %dma_start3A_81 = arith.constant 0 : i32
      %dma_start3A_82 = tpu.memref_slice %arg8[%run_scoped3A_70, %dma_start3A_81] : memref<125x80xi32, #tpu.memory_space<vmem>> -> memref<1x80xi32, #tpu.memory_space<vmem>>
      %dma_start3A_83 = tpu.memref_squeeze %dma_start3A_82 : memref<1x80xi32, #tpu.memory_space<vmem>> -> memref<80xi32, #tpu.memory_space<vmem>>
      %dma_start3A_84 = arith.constant 0 : i32
      %dma_start3A_85 = arith.constant 0 : i32
      %dma_start3A_86 = tpu.memref_slice %arg6[%dma_start3A_84, %dma_start3A_85] : memref<10000x128xf32, #tpu.memory_space<vmem_shared>> -> memref<10000x128xf32, #tpu.memory_space<vmem_shared>>
      tpu.enqueue_indirect_dma source(%dma_start3A_80 : memref<80x128xf32, #tpu.memory_space<vmem>>) target(%dma_start3A_86 : memref<10000x128xf32, #tpu.memory_space<vmem_shared>>) offsets(%dma_start3A_83 : memref<80xi32, #tpu.memory_space<vmem>>) semaphore(%run_scoped3A_76 : memref<!tpu.dma_semaphore, #tpu.memory_space<semaphore_mem>>) {add = true}
      %dma_wait3A_87 = arith.constant 0 : i32
      %dma_wait3A_88 = arith.constant 0 : i32
      %dma_wait3A_89 = tpu.memref_slice %arg9[%run_scoped3A_69, %dma_wait3A_87, %dma_wait3A_88] : memref<3x80x128xf32, #tpu.memory_space<vmem>> -> memref<1x80x128xf32, #tpu.memory_space<vmem>>
      %dma_wait3A_90 = tpu.memref_squeeze %dma_wait3A_89 : memref<1x80x128xf32, #tpu.memory_space<vmem>> -> memref<80x128xf32, #tpu.memory_space<vmem>>
      %dma_wait3A_91 = arith.constant 0 : i32
      %dma_wait3A_92 = tpu.memref_slice %arg8[%run_scoped3A_70, %dma_wait3A_91] : memref<125x80xi32, #tpu.memory_space<vmem>> -> memref<1x80xi32, #tpu.memory_space<vmem>>
      %dma_wait3A_93 = tpu.memref_squeeze %dma_wait3A_92 : memref<1x80xi32, #tpu.memory_space<vmem>> -> memref<80xi32, #tpu.memory_space<vmem>>
      %dma_wait3A_94 = arith.constant 0 : i32
      %dma_wait3A_95 = arith.constant 0 : i32
      %dma_wait3A_96 = tpu.memref_slice %arg6[%dma_wait3A_94, %dma_wait3A_95] : memref<10000x128xf32, #tpu.memory_space<vmem_shared>> -> memref<10000x128xf32, #tpu.memory_space<vmem_shared>>
      tpu.wait_indirect_dma semaphore(%run_scoped3A_76 : memref<!tpu.dma_semaphore, #tpu.memory_space<semaphore_mem>>) src(%dma_wait3A_90 : memref<80x128xf32, #tpu.memory_space<vmem>>) dst(%dma_wait3A_96 : memref<10000x128xf32, #tpu.memory_space<vmem_shared>>)
      tpu.yield
    }) : () -> ()
    %barrier3A_71 = arith.constant 0 : index
    tpu.barrier barrier_id(%barrier3A_71)
    %mul3A_72 = arith.constant 625 : i32
    %mul3A_73 = arith.muli %arg1, %mul3A_72 : i32
    %mul3A_74 = arith.constant 625 : i32
    %mul3A_75 = arith.muli %arg1, %mul3A_74 : i32
    "tpu.region"() ({
      %run_scoped3A_76 = tpu.sem_alloc : memref<!tpu.dma_semaphore, #tpu.memory_space<semaphore_mem>>
      %dma_start3A_77 = arith.constant 0 : i32
      %dma_start3A_78 = tpu.memref_slice %arg5[%arg0, %mul3A_75, %dma_start3A_77] : memref<2x10000x128xf32, #tpu.memory_space<hbm>> -> memref<1x625x128xf32, #tpu.memory_space<hbm>>
      %dma_start3A_79 = tpu.memref_squeeze %dma_start3A_78 : memref<1x625x128xf32, #tpu.memory_space<hbm>> -> memref<625x128xf32, #tpu.memory_space<hbm>>
      %dma_start3A_80 = arith.constant 0 : i32
      %dma_start3A_81 = tpu.memref_slice %arg6[%mul3A_73, %dma_start3A_80] : memref<10000x128xf32, #tpu.memory_space<vmem_shared>> -> memref<625x128xf32, #tpu.memory_space<vmem_shared>>
      tpu.enqueue_dma source(%dma_start3A_81 : memref<625x128xf32, #tpu.memory_space<vmem_shared>>) target(%dma_start3A_79 : memref<625x128xf32, #tpu.memory_space<hbm>>) target_semaphore(%run_scoped3A_76 : memref<!tpu.dma_semaphore, #tpu.memory_space<semaphore_mem>>)
      %dma_wait3A_82 = arith.constant 0 : i32
      %dma_wait3A_83 = tpu.memref_slice %arg5[%arg0, %mul3A_75, %dma_wait3A_82] : memref<2x10000x128xf32, #tpu.memory_space<hbm>> -> memref<1x625x128xf32, #tpu.memory_space<hbm>>
      %dma_wait3A_84 = tpu.memref_squeeze %dma_wait3A_83 : memref<1x625x128xf32, #tpu.memory_space<hbm>> -> memref<625x128xf32, #tpu.memory_space<hbm>>
      %dma_wait3A_85 = arith.constant 0 : i32
      %dma_wait3A_86 = tpu.memref_slice %arg6[%mul3A_73, %dma_wait3A_85] : memref<10000x128xf32, #tpu.memory_space<vmem_shared>> -> memref<625x128xf32, #tpu.memory_space<vmem_shared>>
      tpu.wait_dma2 semaphore(%run_scoped3A_76 : memref<!tpu.dma_semaphore, #tpu.memory_space<semaphore_mem>>) src(%dma_wait3A_86 : memref<625x128xf32, #tpu.memory_space<vmem_shared>>) dst(%dma_wait3A_84 : memref<625x128xf32, #tpu.memory_space<hbm>>)
      tpu.yield
    }) : () -> ()
    return
  }
}

module attributes {stable_mosaic.version = 14 : i64} {
  func.func @_matmul_body(%arg0: i32, %arg1: memref<2000x128xf32, #tpu.memory_space<vmem>>, %arg2: memref<128x128xf32, #tpu.memory_space<vmem>>, %arg3: memref<2000x1xf32, #tpu.memory_space<vmem>>, %arg4: memref<2000x128xf32, #tpu.memory_space<vmem>>) attributes {dimension_semantics = [#tpu.dimension_semantics<arbitrary>], iteration_bounds = array<i64: 5>, scalar_prefetch = 0 : i64, scratch_operands = 0 : i64, tpu.core_type = #tpu.core_type<tc>, window_params = [{transform_indices = @transform_0, window_bounds = array<i64: 2000, 128>}, {pipeline_mode = #tpu.pipeline_mode<synchronous>, transform_indices = @transform_1, window_bounds = array<i64: 128, 128>}, {transform_indices = @transform_2, window_bounds = array<i64: 2000, 1>}, {transform_indices = @transform_3, window_bounds = array<i64: 2000, 128>}]} {
    %get3A = arith.constant 0 : index
    %get3A_0 = arith.constant 0 : index
    %get3A_1 = vector.load %arg1[%get3A, %get3A_0] : memref<2000x128xf32, #tpu.memory_space<vmem>>, vector<2000x128xf32>
    %get3A_2 = arith.constant 0 : index
    %get3A_3 = arith.constant 0 : index
    %get3A_4 = vector.load %arg2[%get3A_2, %get3A_3] : memref<128x128xf32, #tpu.memory_space<vmem>>, vector<128x128xf32>
    %dot_general3A = arith.constant dense<0.000000e+00> : vector<2000x128xf32>
    %dot_general3A_5 = tpu.matmul %get3A_1, %get3A_4, %dot_general3A {dimension_numbers = #tpu.dot_dimension_numbers<[1], [0], [0], [1], [0, 0, 1, 1], [], []>, transpose_lhs_hint = false} : vector<2000x128xf32>, vector<128x128xf32>, vector<2000x128xf32> -> vector<2000x128xf32>
    %get3A_6 = arith.constant 0 : index
    %get3A_7 = arith.constant 0 : index
    %get3A_8 = vector.load %arg3[%get3A_6, %get3A_7] : memref<2000x1xf32, #tpu.memory_space<vmem>>, vector<2000x1xf32>
    %max3A = arith.constant 1.000000e+00 : f32
    %max3A_9 = vector.broadcast %max3A : f32 to vector<2000x1xf32>
    %max3A_10 = arith.maximumf %get3A_8, %max3A_9 : vector<2000x1xf32>
    %rsqrt3A = math.rsqrt %max3A_10 : vector<2000x1xf32>
    %mul3A = vector.broadcast %rsqrt3A : vector<2000x1xf32> to vector<2000x128xf32>
    %mul3A_11 = arith.mulf %dot_general3A_5, %mul3A : vector<2000x128xf32>
    %swap3A = arith.constant 0 : index
    %swap3A_12 = arith.constant 0 : index
    %swap3A_13 = vector.load %arg4[%swap3A, %swap3A_12] : memref<2000x128xf32, #tpu.memory_space<vmem>>, vector<2000x128xf32>
    tpu.vector_store %arg4[%swap3A, %swap3A_12], %mul3A_11 {strides = array<i32>} : memref<2000x128xf32, #tpu.memory_space<vmem>>, vector<2000x128xf32>,
    return
  }
  func.func @transform_0(%arg0: i32) -> (i32, i32) {
    %c0_i32 = arith.constant 0 : i32
    %c0_i32_0 = arith.constant 0 : i32
    return %arg0, %c0_i32 : i32, i32
  }
  func.func @transform_1(%arg0: i32) -> (i32, i32) {
    %c0_i32 = arith.constant 0 : i32
    %c0_i32_0 = arith.constant 0 : i32
    %c0_i32_1 = arith.constant 0 : i32
    return %c0_i32, %c0_i32_0 : i32, i32
  }
  func.func @transform_2(%arg0: i32) -> (i32, i32) {
    %c0_i32 = arith.constant 0 : i32
    %c0_i32_0 = arith.constant 0 : i32
    return %arg0, %c0_i32 : i32, i32
  }
  func.func @transform_3(%arg0: i32) -> (i32, i32) {
    %c0_i32 = arith.constant 0 : i32
    %c0_i32_0 = arith.constant 0 : i32
    return %arg0, %c0_i32 : i32, i32
  }
}

module attributes {stable_mosaic.version = 14 : i64} {
  func.func @_final_body(%arg0: i32, %arg1: memref<2x2000x128xf32, #tpu.memory_space<vmem>>, %arg2: memref<2000x1xf32, #tpu.memory_space<vmem>>, %arg3: memref<2000x128xf32, #tpu.memory_space<vmem>>) attributes {dimension_semantics = [#tpu.dimension_semantics<arbitrary>], iteration_bounds = array<i64: 5>, scalar_prefetch = 0 : i64, scratch_operands = 0 : i64, tpu.core_type = #tpu.core_type<tc>, window_params = [{transform_indices = @transform_0, window_bounds = array<i64: 2, 2000, 128>}, {transform_indices = @transform_1, window_bounds = array<i64: 2000, 1>}, {transform_indices = @transform_2, window_bounds = array<i64: 2000, 128>}]} {
    %get3A = arith.constant 0 : index
    %get3A_0 = arith.constant 0 : index
    %get3A_1 = arith.constant 0 : index
    %get3A_2 = vector.load %arg1[%get3A, %get3A_0, %get3A_1] : memref<2x2000x128xf32, #tpu.memory_space<vmem>>, vector<1x2000x128xf32>
    %get3A_3 = vector.shape_cast %get3A_2 : vector<1x2000x128xf32> to vector<2000x128xf32>
    %get3A_4 = arith.constant 1 : index
    %get3A_5 = arith.constant 0 : index
    %get3A_6 = arith.constant 0 : index
    %get3A_7 = vector.load %arg1[%get3A_4, %get3A_5, %get3A_6] : memref<2x2000x128xf32, #tpu.memory_space<vmem>>, vector<1x2000x128xf32>
    %get3A_8 = vector.shape_cast %get3A_7 : vector<1x2000x128xf32> to vector<2000x128xf32>
    %add3A = arith.addf %get3A_3, %get3A_8 : vector<2000x128xf32>
    %get3A_9 = arith.constant 0 : index
    %get3A_10 = arith.constant 0 : index
    %get3A_11 = vector.load %arg2[%get3A_9, %get3A_10] : memref<2000x1xf32, #tpu.memory_space<vmem>>, vector<2000x1xf32>
    %max3A = arith.constant 1.000000e+00 : f32
    %max3A_12 = vector.broadcast %max3A : f32 to vector<2000x1xf32>
    %max3A_13 = arith.maximumf %get3A_11, %max3A_12 : vector<2000x1xf32>
    %rsqrt3A = math.rsqrt %max3A_13 : vector<2000x1xf32>
    %mul3A = vector.broadcast %rsqrt3A : vector<2000x1xf32> to vector<2000x128xf32>
    %mul3A_14 = arith.mulf %add3A, %mul3A : vector<2000x128xf32>
    %max3A_15 = arith.constant 0.000000e+00 : f32
    %max3A_16 = vector.broadcast %max3A_15 : f32 to vector<2000x128xf32>
    %max3A_17 = arith.maximumf %mul3A_14, %max3A_16 : vector<2000x128xf32>
    %swap3A = arith.constant 0 : index
    %swap3A_18 = arith.constant 0 : index
    %swap3A_19 = vector.load %arg3[%swap3A, %swap3A_18] : memref<2000x128xf32, #tpu.memory_space<vmem>>, vector<2000x128xf32>
    tpu.vector_store %arg3[%swap3A, %swap3A_18], %max3A_17 {strides = array<i32>} : memref<2000x128xf32, #tpu.memory_space<vmem>>, vector<2000x128xf32>,
    return
  }
  func.func @transform_0(%arg0: i32) -> (i32, i32, i32) {
    %c0_i32 = arith.constant 0 : i32
    %c0_i32_0 = arith.constant 0 : i32
    %c0_i32_1 = arith.constant 0 : i32
    return %c0_i32, %arg0, %c0_i32_0 : i32, i32, i32
  }
  func.func @transform_1(%arg0: i32) -> (i32, i32) {
    %c0_i32 = arith.constant 0 : i32
    %c0_i32_0 = arith.constant 0 : i32
    return %arg0, %c0_i32 : i32, i32
  }
  func.func @transform_2(%arg0: i32) -> (i32, i32) {
    %c0_i32 = arith.constant 0 : i32
    %c0_i32_0 = arith.constant 0 : i32
    return %arg0, %c0_i32 : i32, i32
  }
}

</mosaic_0001>

<sc_bundles>
// kernel: kernel.6.cloned.1.call-start
scs
__scs_entry_jumppad:
0x0: {  	(pc) =	sbr.rel $0x88, $3  }
0x1: {  	(tag) =	ssettag $0x0;
	lr =	simm.s32 $0x1  }
0x2: {  	[smem:$0x3F9E] =	sst lr;
	_ =	strace $0xD0000000  }
0x3: {  	_ = 	snop  }
0x4: {  	_ = 	snop  }
0x5: {  	_ = 	snop  }
0x6: {  	_ = 	snop  }
0x7: {  	_ = 	snop  }
__scs_overlays_trampoline_lowered:
0x8: {  	[smem:$0x3FAD] =	sst s0  }
0x9: {  	[smem:$0x3FAE] =	sst s1  }
0xa: {  	[smem:$0x3FAF] =	sst s2  }
0xb: {  	[smem:$0x3FB0] =	sst s3  }
0xc: {  	[smem:$0x3FB1] =	sst s4  }
0xd: {  	[smem:$0x3FB2] =	sst s5  }
0xe: {  	[smem:$0x3FB3] =	sst s6  }
0xf: {  	[smem:$0x3FB4] =	sst s7  }
0x10: {  	[smem:$0x3FB5] =	sst s8  }
0x11: {  	[smem:$0x3FB6] =	sst s9;
	s0 =	simm.s32 @!p0 $0x0  }
0x12: {  	s1 =	sld [smem:$0x3F9C];
	s0 =	simm.s32 @p0 $0x1  }
0x13: {  	[smem:$0x3FB7] =	sst s0;
	s0 =	simm.s32 @!p1 $0x0  }
0x14: {  	s2 =	sld [smem:$0x3F9B];
	s0 =	simm.s32 @p1 $0x1  }
0x15: {  	[smem:$0x3FB8] =	sst s0;
	s0 =	simm.s32 @!p2 $0x0  }
0x16: {  	s3 =	sld [smem:$0x3FDB];
	s0 =	simm.s32 @p2 $0x1  }
0x17: {  	s4 =	simm.s32 $0x1BF5;
	[smem:$0x3FBA] =	sst s0  }
0x18: {  	s0 =	sld [smem:$0x3F9D];
	_ =	swait.ge [sflag:s4], $0x0  }
0x19: {  	s7 =	sld [smem:$0x3F9E]  }
0x1a: {  	s8 =	sadd.s32 $0xFFFFE003, lr  }
0x1b: {  	s9 =	sadd.s32 $0xFFFFFEF7, lr;
	s5 =	simm.s32 $0xFFFFFFFF;
	p2 =	slt.u32 s8, $0xFFFFF086  }
0x1c: {  	p1 =	slt.u32 s9, $0xF7A;
	s5 =	simm.s32 @!p2 $0x0  }
0x1d: {  	s5 =	simm.s32 @p1 $0x1;
	p0 =	seq.s32 s7, s2  }
0x1e: {  	s7 =	smul.u32 @!p0 $0xF7A, s2;
	p2 =	seq.s32 @!p0 s5, $0x0  }
0x1f: {  	s9 =	smul.u32 $0xF7A, s1;
	s8 =	simm.s32 @!p0 $0x1BF5;
	p2 =	por !p2, p0  }
0x20: {  	[sflag:s8] =	ssyncset.s32 @!p0 $0xFFFFF086;
	s6 =	sadd.s32 @!p0 s3, s7;
	s7 =	simm.s32 @!p0 $0x108  }
0x21: {  	s3 =	sadd.s32 s3, s9;
	s6 =	sadd.s32 @!p0 $0x88, s6;
	s7 =	simm.s32 @p2 $0x1082  }
0x22: {  	[simem:s7], [sflag:s8] =	dma.local @!p0 [hbm:s6], $0xF7A  }
0x23: {  	s9 =	sor.u32 $0xD0000000, s2;
	s6 =	simm.s32 $0x108;
	_ =	swait.ge @!p0 [sflag:s8], $0x0  }
0x24: {  	s3 =	sadd.s32 $0x88, s3;
	s6 =	simm.s32 @!p1 $0x1082;
	[sflag:s4] =	ssyncset.s32 $0xFFFFF086  }
0x25: {  	[simem:s6], [sflag:s4] =	dma.local [hbm:s3], $0xF7A  }
0x26: {  	[smem:$0x3F9E] =	sst s1;
	(tag) =	ssettag s2;
	_ =	strace s9  }
0x27: {  	s1 =	sld [smem:$0x3FAE]  }
0x28: {  	s2 =	sld [smem:$0x3FAF]  }
0x29: {  	s4 =	sld [smem:$0x3FB1]  }
0x2a: {  	p0 =	seq.s32 s5, $0x0;
	s5 =	sld [smem:$0x3FB2]  }
0x2b: {  	s6 =	sld [smem:$0x3FB3]  }
0x2c: {  	s7 =	sld [smem:$0x3FB4]  }
0x2d: {  	s3 =	simm.s32 $0x108;
	s8 =	sld [smem:$0x3FB5]  }
0x2e: {  	s3 =	simm.s32 @!p0 $0x1082;
	s9 =	sld [smem:$0x3FB6]  }
0x2f: {  	lr =	sadd.s32 s0, s3;
	s0 =	sld [smem:$0x3FAD]  }
0x30: {  	s3 =	sld [smem:$0x3FB0]  }
0x31: {  	[smem:$0x3FB9] =	sst s10  }
0x32: {  	s10 =	sld [smem:$0x3FB7];
	_ =	sdelay $0x3  }
0x33: {  	p0 =	seq.s32 s10, $0x1;
	s10 =	sld [smem:$0x3FB9];
	_ =	sdelay $0x3  }
0x34: {  	[smem:$0x3FB9] =	sst s10  }
0x35: {  	s10 =	sld [smem:$0x3FB8];
	_ =	sdelay $0x3  }
0x36: {  	p1 =	seq.s32 s10, $0x1;
	s10 =	sld [smem:$0x3FB9];
	_ =	sdelay $0x3  }
0x37: {  	[smem:$0x3FB9] =	sst s10  }
0x38: {  	s10 =	sld [smem:$0x3FBA]  }
0x39: {  	_ = 	snop;
	(pc) =	sbr.ind lr, $3  }
0x3a: {  	_ = 	snop  }
0x3b: {  	_ = 	snop  }
0x3c: {  	p2 =	seq.s32 s10, $0x1;
	s10 =	sld [smem:$0x3FB9]  }
0x3d: {  	_ =	shalt  }
0x3e: {  	_ =	shalt  }
0x3f: {  	_ =	shalt  }
0x40: {  	_ =	shalt  }
0x41: {  	_ =	shalt  }
0x42: {  	_ =	shalt  }
0x43: {  	_ =	shalt  }
0x44: {  	_ =	shalt  }
0x45: {  	_ =	shalt  }
0x46: {  	_ =	shalt  }
0x47: {  	_ =	shalt  }
0x48: {  	_ =	shalt  }
0x49: {  	_ =	shalt  }
0x4a: {  	_ =	shalt  }
0x4b: {  	_ =	shalt  }
0x4c: {  	_ =	shalt  }
0x4d: {  	_ =	shalt  }
0x4e: {  	_ =	shalt  }
0x4f: {  	_ =	shalt  }
0x50: {  	_ =	shalt  }
0x51: {  	_ =	shalt  }
0x52: {  	_ =	shalt  }
0x53: {  	_ =	shalt  }
0x54: {  	_ =	shalt  }
0x55: {  	_ =	shalt  }
0x56: {  	_ =	shalt  }
0x57: {  	_ =	shalt  }
0x58: {  	_ =	shalt  }
0x59: {  	_ =	shalt  }
0x5a: {  	_ =	shalt  }
0x5b: {  	_ =	shalt  }
0x5c: {  	_ =	shalt  }
0x5d: {  	_ =	shalt  }
0x5e: {  	_ =	shalt  }
0x5f: {  	_ =	shalt  }
0x60: {  	_ =	shalt  }
0x61: {  	_ =	shalt  }
0x62: {  	_ =	shalt  }
0x63: {  	_ =	shalt  }
0x64: {  	_ =	shalt  }
0x65: {  	_ =	shalt  }
0x66: {  	_ =	shalt  }
0x67: {  	_ =	shalt  }
0x68: {  	_ =	shalt  }
0x69: {  	_ =	shalt  }
0x6a: {  	_ =	shalt  }
0x6b: {  	_ =	shalt  }
0x6c: {  	_ =	shalt  }
0x6d: {  	_ =	shalt  }
0x6e: {  	_ =	shalt  }
0x6f: {  	_ =	shalt  }
0x70: {  	_ =	shalt  }
0x71: {  	_ =	shalt  }
0x72: {  	_ =	shalt  }
0x73: {  	_ =	shalt  }
0x74: {  	_ =	shalt  }
0x75: {  	_ =	shalt  }
0x76: {  	_ =	shalt  }
0x77: {  	_ =	shalt  }
0x78: {  	_ =	shalt  }
0x79: {  	_ =	shalt  }
0x7a: {  	_ =	shalt  }
0x7b: {  	_ =	shalt  }
0x7c: {  	_ =	shalt  }
0x7d: {  	_ =	shalt  }
0x7e: {  	_ =	shalt  }
0x7f: {  	_ =	shalt  }
0x80: {  	_ =	shalt  }
0x81: {  	_ =	shalt  }
0x82: {  	_ =	shalt  }
0x83: {  	_ =	shalt  }
0x84: {  	_ =	shalt  }
0x85: {  	_ =	shalt  }
0x86: {  	_ =	shalt  }
0x87: {  	_ =	shalt  }
.Lfunc_end0:
.L_simem_size_0:
called_computation_lowered:
.L_overlay_start_0:
0x88: {  	s2 =	sld [smem:$0x3FD9]  }
0x89: {  	s3 =	sld [smem:$0x3FFE];
	_ =	sdelay $0x1  }
0x8a: {  	s1 =	srdreg.scid  }
0x8b: {  	s0 =	sand.u32 $0x1, s1  }
0x8c: {  	s17 =	sshll.u32 s0, $0xA;
	s2 =	sadd.s32 s3, s2  }
0x8d: {  	s2 =	sadd.s32 s2, s17  }
0x8e: {  	[smem:$0x3FC5] =	sst s2  }
0x8f: {  	_ = 	snop  }
0x90: {  	s2 =	sld [smem:$0x3FD0];
	(tm) =	ssettm $0x1  }
0x91: {  	s18 =	sld [smem:$0x3FFB];
	_ =	sdelay $0x3  }
0x92: {  	_ =	strace s18  }
0x93: {  	s3 =	sld [smem:$0x3FFC];
	_ =	sdelay $0x3  }
0x94: {  	_ =	strace s3  }
0x95: {  	s3 =	sld [smem:$0x3FFD];
	_ =	sdelay $0x3  }
0x96: {  	_ =	strace s3  }
0x97: {  	_ =	strace $0x8FFFFFFF  }
0x98: {  	s19 =	sld [smem:$0x3FDB];
	_ =	sdelay $0x1  }
0x99: {  	s4 =	simm.s32 $_scs_section_size  }
0x9a: {  	s5 =	simm.s32 $_size__tile_overlayer_lowered;
	s6 =	simm.s32 $_tile_overlayer_lowered  }
0x9b: {  	s22 =	simm.s32 $0x1BFF;
	s21 =	sshll.u32 s6, $0x1;
	s3 =	sadd.s32 s4, s19  }
0x9c: {  	s7 =	simm.s32 $0x0;
	s20 =	sshll.u32 s5, $0x1;
	s5 =	sadd.s32 s21, s3  }
0x9d: {  	[timem:s7], [sflag:s22] =	dma.local [hbm:s5], s20  }
0x9e: {  	_ =	swait.ge [sflag:s22], s20  }
0x9f: {  	s4 =	ssub.s32 $0x0, s20;
	[sflag:s22] =	ssyncset.done $0x0  }
0xa0: {  	[sflag:s22] =	ssyncadd.s32 s4;
	_ =	sdelay $0x1  }
0xa1: {  	s23 =	simm.s32 $0x1B8B  }
0xa2: {  	_ =	swait.ge [sflag:s23], $0x1  }
0xa3: {  	[sflag:s23] =	ssyncset.done $0x0  }
0xa4: {  	s25 =	simm.s32 $0x1B8E;
	s24 =	sld [smem:$0x3FFE];
	[sflag:s23] =	ssyncadd.s32 $0xFFFFFFFF  }
0xa5: {  	s26 =	simm.s32 $execute0_lowered;
	[smem:$0x3FD2] =	sst s25  }
0xa6: {  	s5 =	sshll.u32 s26, $0x1;
	_ =	strace $0x80000046;
	[dreg:$0x1] =	wrdreg $0xFFFFFFFF  }
0xa7: {  	s28 =	simm.s32 $_size_execute0_lowered;
	s3 =	sadd.s32 s3, s5;
	[dreg:$0x0] =	wrdreg $0x0  }
0xa8: {  	s5 =	sshll.u32 s28, $0x1;
	[dreg:$0x2] =	wrdreg s3  }
0xa9: {  	[dreg:$0x3] =	wrdreg s5  }
0xaa: {  	[dreg:$0x4] =	wrdreg $0xC0  }
0xab: {  	_ =	task [dreg:s7], $0x5FFFF  }
0xac: {  	[dreg:$0x1] =	wrdreg $0xFFFFFFFF  }
0xad: {  	[dreg:$0x0] =	wrdreg $0x60  }
0xae: {  	[dreg:$0x2] =	wrdreg s24  }
0xaf: {  	[dreg:$0x3] =	wrdreg s2  }
0xb0: {  	[dreg:$0x4] =	wrdreg $0x0  }
0xb1: {  	[dreg:$0x5] =	wrdreg $0x9  }
0xb2: {  	_ =	task.clear_ibuf [dreg:s7], $0x6FFFF;
	_ =	strace $0x90000046  }
0xb3: {  	s29 =	simm.s32 $0x9;
	_ =	strace $0x80000048  }
0xb4: {  	_ =	swait.ge [sflag:s29], $0x1  }
0xb5: {  	[sflag:s29] =	ssyncadd.s32 $0xFFFFFFFF  }
0xb6: {  	_ =	strace $0x90000048  }
0xb7: {  	_ =	sfence  }
0xb8: {  	s30 =	sld [smem:$0x0];
	_ =	sdelay $0x2  }
0xb9: {  	s31 =	sshll.u32 s1, $0xD;
	s1 =	sshrl.u32 s1, $0x2  }
0xba: {  	s3 =	sand.u32 $0x4000, s31;
	s1 =	sadd.s32 s1, s30  }
0xbb: {  	s0 =	sor.u32 s3, s0;
	s1 =	sshll.u32 s1, $0x11  }
0xbc: {  	s0 =	sor.u32 s1, s0  }
0xbd: {  	s0 =	sadd.s32 $0x8F2B, s0  }
0xbe: {  	[sflag:s0] =	ssyncadd.remote.s32 $0x1  }
0xbf: {  	_ =	sfence.sel $0xFFFF  }
0xc0: {  	[dreg:$0x0] =	wrdreg $0xFFFFFFFF;
	(pc) =	sbr.abs _section_cstart, $3  }
0xc1: {  	[dreg:$0x1] =	wrdreg $0xFFFFFFFF  }
0xc2: {  	_ =	task.clear_ibuf [dreg:s7], $0x2FFFF;
	_ =	strace $0x9FFFFFFF  }
0xc3: {  	(tm) =	ssettm $0x7FFFFFFF  }
tec
execute0_lowered:
.L_overlay_start_1:
0x0: {  	(tag) =	ssettag $0x1  }
0x1: {  	s4 =	rddreg [dreg:$0x0]  }
0x2: {  	s7 =	rddreg [dreg:$0x1];
	s0 =	srdreg.scid  }
0x3: {  	s2 =	rddreg [dreg:$0x2];
	s1 =	stileid.u32;
	s3 =	simm.s32 $0x0  }
0x4: {  	s11 =	simm.s32 $0x280;
	s12 =	simm.s32 $0x50;
	s13 =	simm.s32 $0x50A0  }
0x5: {  	s14 =	simm.s32 $0x1;
	s15 =	simm.s32 $0x2;
	s16 =	simm.s32 $0x3  }
0x6: {  	s17 =	simm.s32 $0x4;
	s18 =	simm.s32 $0x5;
	s19 =	simm.s32 $0x6  }
0x7: {  	s20 =	simm.s32 $0x7;
	s21 =	simm.s32 $0x8;
	s22 =	simm.s32 $0x9  }
0x8: {  	s23 =	simm.s32 $0xA;
	s25 =	simm.s32 $0x0;
	s8 =	smul.u32 $0x4E20, s1  }
0x9: {  	s5 =	sand.u32 $0x1, s0;
	s0 =	rddreg [dreg:$0x3];
	s9 =	smul.u32 $0x280, s1  }
0xa: {  	[smem:$0x7FF] =	sst s3;
	s24 =	sadd.s32 $0x2580, s2;
	s6 =	smul.u32 $0x4E200, s5  }
0xb: {  	p0 =	seq.s32 s1, $0xF;
	s28 =	ssub.s32 $0x2, s5;
	s5 =	smul.u32 $0x2710, s5  }
0xc: {  	_ =	strace $0x80000047;
	s24 =	sshrl.u32 @p0 s24, $0x3;
	s10 =	sshrl.u32 s28, $0x1  }
0xd: {  	s6 =	sadd.s32 s8, s6;
	s8 =	ssub.s32 s28, s10;
	s29 =	sadd.s32 s9, s5  }
0xe: {  	s31 =	sshrl.u32 s5, $0x3;
	s10 =	simm.s32 $0xB;
	s6 =	sshrl.u32 s6, $0x3  }
0xf: {  	s30 =	sshrl.u32 s29, $0x3;
	s8 =	smax.u32 s8, $0x1;
	s6 =	sadd.s32 s6, s4  }
0x10: {  	s5 =	sadd.s32 $0x1800, s6;
	s6 =	sadd.s32 s7, s30;
	s7 =	sadd.s32 s7, s31  }
0x11: {  	v0 =	vimm.f32 $0.0e+00;
	v1 =	vimm.f32 $1.000000000e+00;
	s4 =	sadd.s32 s9, s2;
	s9 =	simm.s32 $0x50F0;
	s7 =	sadd.s32 $0x4B0, s7  }
.LBB2_1:
0x12: {  	[tilespmem:$0x50F0] =	vst v0  }
0x13: {  	[tilespmem:$0x5100] =	vst v0  }
0x14: {  	[tilespmem:$0x5110] =	vst v0  }
0x15: {  	[tilespmem:$0x5120] =	vst v0  }
0x16: {  	[tilespmem:$0x5130] =	vst v0  }
0x17: {  	[tilespmem:$0x5140] =	vst v0  }
0x18: {  	[tilespmem:$0x5150] =	vst v0  }
0x19: {  	[tilespmem:$0x5160] =	vst v0  }
0x1a: {  	[tilespmem:$0x5170] =	vst v0  }
0x1b: {  	[tilespmem:$0x5180] =	vst v0  }
0x1c: {  	[tilespmem:$0x5190] =	vst v0  }
0x1d: {  	[tilespmem:$0x51A0] =	vst v0  }
0x1e: {  	[tilespmem:$0x51B0] =	vst v0  }
0x1f: {  	[tilespmem:$0x51C0] =	vst v0  }
0x20: {  	[tilespmem:$0x51D0] =	vst v0  }
0x21: {  	[tilespmem:$0x51E0] =	vst v0  }
0x22: {  	[tilespmem:$0x51F0] =	vst v0  }
0x23: {  	[tilespmem:$0x5200] =	vst v0  }
0x24: {  	[tilespmem:$0x5210] =	vst v0  }
0x25: {  	[tilespmem:$0x5220] =	vst v0  }
0x26: {  	[tilespmem:$0x5230] =	vst v0  }
0x27: {  	[tilespmem:$0x5240] =	vst v0  }
0x28: {  	[tilespmem:$0x5250] =	vst v0  }
0x29: {  	[tilespmem:$0x5260] =	vst v0  }
0x2a: {  	[tilespmem:$0x5270] =	vst v0  }
0x2b: {  	[tilespmem:$0x5280] =	vst v0  }
0x2c: {  	[tilespmem:$0x5290] =	vst v0  }
0x2d: {  	[tilespmem:$0x52A0] =	vst v0  }
0x2e: {  	[tilespmem:$0x52B0] =	vst v0  }
0x2f: {  	[tilespmem:$0x52C0] =	vst v0  }
0x30: {  	[tilespmem:$0x52D0] =	vst v0  }
0x31: {  	[tilespmem:$0x52E0] =	vst v0  }
0x32: {  	[tilespmem:$0x52F0] =	vst v0  }
0x33: {  	[tilespmem:$0x5300] =	vst v0  }
0x34: {  	[tilespmem:$0x5310] =	vst v0  }
0x35: {  	[tilespmem:$0x5320] =	vst v0  }
0x36: {  	[tilespmem:$0x5330] =	vst v0  }
0x37: {  	[tilespmem:$0x5340] =	vst v0  }
0x38: {  	[tilespmem:$0x5350] =	vst v0  }
0x39: {  	[tilespmem:$0x5360] =	vst v0  }
0x3a: {  	[tilespmem:$0x50A0] =	vst v1  }
0x3b: {  	[tilespmem:$0x50B0] =	vst v1  }
0x3c: {  	[tilespmem:$0x50C0] =	vst v1  }
0x3d: {  	[tilespmem:$0x50D0] =	vst v1  }
0x3e: {  	[tilespmem:$0x50E0] =	vst v1  }
0x3f: {  	[spmem:s4] =	stream.linear.scatter [tilespmem:s9], [sflag:$0xB], $0x280, $0x38;
	[tilespmem:$0x5370] =	vst v63  }
0x40: {  	_ =	swait.ge [sflag:s10], $0x280  }
0x41: {  	[sflag:s10] =	ssyncset.done $0x0  }
0x42: {  	[sflag:s10] =	ssyncadd.s32 $0xFFFFFD80  }
0x43: {  	[tilespmem:s11], [sflag:$0xB] =	stream.linear.gather [hbm4b:s5+s3], $0x4E20, $0x38;
	[tilespmem:$0x5370] =	vst v63  }
0x44: {  	_ =	swait.ge [sflag:s10], $0x4E20  }
0x45: {  	[sflag:s10] =	ssyncset.done $0x0  }
0x46: {  	[sflag:s10] =	ssyncadd.s32 $0xFFFFB1E0  }
0x47: {  	s26 =	simm.s32 $0x280;
	[bflag:$0x0] =	sbarrier.arrive $0xFFFF  }
0x48: {  	[spmem:s2] =	stream.indirect.scatter.add.f32 [tilespmem:s13], [sflag:$0x1], $0x1, s26, s12, $0xb8;
	[tilespmem:$0x5370] =	vst v63  }
0x49: {  	s31 =	simm.s32 $0x2D0  }
0x4a: {  	[spmem:s2] =	stream.indirect.scatter.add.f32 [tilespmem:s13], [sflag:$0x2], $0x1, s31, s12, $0xb8;
	[tilespmem:$0x5370] =	vst v63  }
0x4b: {  	s28 =	simm.s32 $0x320  }
0x4c: {  	[spmem:s2] =	stream.indirect.scatter.add.f32 [tilespmem:s13], [sflag:$0x3], $0x1, s28, s12, $0xb8;
	[tilespmem:$0x5370] =	vst v63  }
0x4d: {  	s31 =	simm.s32 $0x370  }
0x4e: {  	[spmem:s2] =	stream.indirect.scatter.add.f32 [tilespmem:s13], [sflag:$0x4], $0x1, s31, s12, $0xb8;
	[tilespmem:$0x5370] =	vst v63  }
0x4f: {  	s28 =	simm.s32 $0x3C0  }
0x50: {  	[spmem:s2] =	stream.indirect.scatter.add.f32 [tilespmem:s13], [sflag:$0x5], $0x1, s28, s12, $0xb8;
	[tilespmem:$0x5370] =	vst v63  }
0x51: {  	s31 =	simm.s32 $0x410  }
0x52: {  	[spmem:s2] =	stream.indirect.scatter.add.f32 [tilespmem:s13], [sflag:$0x6], $0x1, s31, s12, $0xb8;
	[tilespmem:$0x5370] =	vst v63  }
0x53: {  	s28 =	simm.s32 $0x460  }
0x54: {  	[spmem:s2] =	stream.indirect.scatter.add.f32 [tilespmem:s13], [sflag:$0x7], $0x1, s28, s12, $0xb8;
	[tilespmem:$0x5370] =	vst v63  }
0x55: {  	s31 =	simm.s32 $0x4B0  }
0x56: {  	[spmem:s2] =	stream.indirect.scatter.add.f32 [tilespmem:s13], [sflag:$0x8], $0x1, s31, s12, $0xb8;
	[tilespmem:$0x5370] =	vst v63  }
0x57: {  	s28 =	simm.s32 $0x500  }
0x58: {  	[spmem:s2] =	stream.indirect.scatter.add.f32 [tilespmem:s13], [sflag:$0x9], $0x1, s28, s12, $0xb8;
	[tilespmem:$0x5370] =	vst v63  }
0x59: {  	s31 =	simm.s32 $0x550  }
0x5a: {  	[spmem:s2] =	stream.indirect.scatter.add.f32 [tilespmem:s13], [sflag:$0xA], $0x1, s31, s12, $0xb8;
	[tilespmem:$0x5370] =	vst v63  }
0x5b: {  	_ =	swait.ge [sflag:s14], $0x50  }
0x5c: {  	[sflag:s14] =	ssyncset.done $0x0  }
0x5d: {  	[sflag:s14] =	ssyncadd.s32 $0xFFFFFFB0  }
0x5e: {  	_ =	swait.ge [sflag:s15], $0x50  }
0x5f: {  	[sflag:s15] =	ssyncset.done $0x0  }
0x60: {  	[sflag:s15] =	ssyncadd.s32 $0xFFFFFFB0  }
0x61: {  	_ =	swait.ge [sflag:s16], $0x50  }
0x62: {  	[sflag:s16] =	ssyncset.done $0x0  }
0x63: {  	[sflag:s16] =	ssyncadd.s32 $0xFFFFFFB0  }
0x64: {  	_ =	swait.ge [sflag:s17], $0x50  }
0x65: {  	[sflag:s17] =	ssyncset.done $0x0  }
0x66: {  	[sflag:s17] =	ssyncadd.s32 $0xFFFFFFB0  }
0x67: {  	_ =	swait.ge [sflag:s18], $0x50  }
0x68: {  	[sflag:s18] =	ssyncset.done $0x0  }
0x69: {  	[sflag:s18] =	ssyncadd.s32 $0xFFFFFFB0  }
0x6a: {  	_ =	swait.ge [sflag:s19], $0x50  }
0x6b: {  	[sflag:s19] =	ssyncset.done $0x0  }
0x6c: {  	[sflag:s19] =	ssyncadd.s32 $0xFFFFFFB0  }
0x6d: {  	_ =	swait.ge [sflag:s20], $0x50  }
0x6e: {  	[sflag:s20] =	ssyncset.done $0x0  }
0x6f: {  	[sflag:s20] =	ssyncadd.s32 $0xFFFFFFB0  }
0x70: {  	_ =	swait.ge [sflag:s21], $0x50  }
0x71: {  	[sflag:s21] =	ssyncset.done $0x0  }
0x72: {  	[sflag:s21] =	ssyncadd.s32 $0xFFFFFFB0  }
0x73: {  	_ =	swait.ge [sflag:s22], $0x50  }
0x74: {  	[sflag:s22] =	ssyncset.done $0x0  }
0x75: {  	[sflag:s22] =	ssyncadd.s32 $0xFFFFFFB0  }
0x76: {  	_ =	swait.ge [sflag:s23], $0x50  }
0x77: {  	s30 =	simm.s32 $0x1900;
	s29 =	simm.s32 $0x320;
	[sflag:s23] =	ssyncset.done $0x0  }
.LBB2_2:
0x78: {  	s31 =	sadd.s32 $0x280, s29  }
0x79: {  	[sflag:s23] =	ssyncadd.s32 $0xFFFFFFB0;
	s28 =	smov.u32 s30;
	s26 =	sadd.s32 $0xC80, s30  }
0x7a: {  	[spmem:s2] =	stream.indirect.scatter.add.f32 [tilespmem:s13], [sflag:$0x1], $0x1, s31, s12, $0xb8;
	[tilespmem:$0x5370] =	vst v63  }
0x7b: {  	p1 =	sne.s32 s30, $0x12C00;
	s30 =	sadd.s32 $0x2D0, s29  }
0x7c: {  	[spmem:s2] =	stream.indirect.scatter.add.f32 [tilespmem:s13], [sflag:$0x2], $0x1, s30, s12, $0xb8;
	[tilespmem:$0x5370] =	vst v63  }
0x7d: {  	s30 =	sadd.s32 $0x320, s29  }
0x7e: {  	[spmem:s2] =	stream.indirect.scatter.add.f32 [tilespmem:s13], [sflag:$0x3], $0x1, s30, s12, $0xb8;
	[tilespmem:$0x5370] =	vst v63  }
0x7f: {  	s30 =	sadd.s32 $0x370, s29  }
0x80: {  	[spmem:s2] =	stream.indirect.scatter.add.f32 [tilespmem:s13], [sflag:$0x4], $0x1, s30, s12, $0xb8;
	[tilespmem:$0x5370] =	vst v63  }
0x81: {  	s30 =	sadd.s32 $0x3C0, s29  }
0x82: {  	[spmem:s2] =	stream.indirect.scatter.add.f32 [tilespmem:s13], [sflag:$0x5], $0x1, s30, s12, $0xb8;
	[tilespmem:$0x5370] =	vst v63  }
0x83: {  	s30 =	sadd.s32 $0x410, s29  }
0x84: {  	[spmem:s2] =	stream.indirect.scatter.add.f32 [tilespmem:s13], [sflag:$0x6], $0x1, s30, s12, $0xb8;
	[tilespmem:$0x5370] =	vst v63  }
0x85: {  	s30 =	sadd.s32 $0x460, s29  }
0x86: {  	[spmem:s2] =	stream.indirect.scatter.add.f32 [tilespmem:s13], [sflag:$0x7], $0x1, s30, s12, $0xb8;
	[tilespmem:$0x5370] =	vst v63  }
0x87: {  	s30 =	sadd.s32 $0x4B0, s29  }
0x88: {  	[spmem:s2] =	stream.indirect.scatter.add.f32 [tilespmem:s13], [sflag:$0x8], $0x1, s30, s12, $0xb8;
	[tilespmem:$0x5370] =	vst v63  }
0x89: {  	s30 =	sadd.s32 $0x500, s29  }
0x8a: {  	[spmem:s2] =	stream.indirect.scatter.add.f32 [tilespmem:s13], [sflag:$0x9], $0x1, s30, s12, $0xb8;
	[tilespmem:$0x5370] =	vst v63  }
0x8b: {  	s29 =	sadd.s32 $0x550, s29  }
0x8c: {  	[spmem:s2] =	stream.indirect.scatter.add.f32 [tilespmem:s13], [sflag:$0xA], $0x1, s29, s12, $0xb8;
	[tilespmem:$0x5370] =	vst v63  }
0x8d: {  	_ =	swait.ge [sflag:s14], $0x50  }
0x8e: {  	[sflag:s14] =	ssyncset.done $0x0  }
0x8f: {  	[sflag:s14] =	ssyncadd.s32 $0xFFFFFFB0  }
0x90: {  	_ =	swait.ge [sflag:s15], $0x50  }
0x91: {  	[sflag:s15] =	ssyncset.done $0x0  }
0x92: {  	[sflag:s15] =	ssyncadd.s32 $0xFFFFFFB0  }
0x93: {  	_ =	swait.ge [sflag:s16], $0x50  }
0x94: {  	[sflag:s16] =	ssyncset.done $0x0  }
0x95: {  	[sflag:s16] =	ssyncadd.s32 $0xFFFFFFB0  }
0x96: {  	_ =	swait.ge [sflag:s17], $0x50  }
0x97: {  	[sflag:s17] =	ssyncset.done $0x0  }
0x98: {  	[sflag:s17] =	ssyncadd.s32 $0xFFFFFFB0  }
0x99: {  	_ =	swait.ge [sflag:s18], $0x50  }
0x9a: {  	[sflag:s18] =	ssyncset.done $0x0  }
0x9b: {  	[sflag:s18] =	ssyncadd.s32 $0xFFFFFFB0  }
0x9c: {  	_ =	swait.ge [sflag:s19], $0x50  }
0x9d: {  	[sflag:s19] =	ssyncset.done $0x0  }
0x9e: {  	[sflag:s19] =	ssyncadd.s32 $0xFFFFFFB0  }
0x9f: {  	_ =	swait.ge [sflag:s20], $0x50  }
0xa0: {  	[sflag:s20] =	ssyncset.done $0x0  }
0xa1: {  	[sflag:s20] =	ssyncadd.s32 $0xFFFFFFB0  }
0xa2: {  	_ =	swait.ge [sflag:s21], $0x50  }
0xa3: {  	[sflag:s21] =	ssyncset.done $0x0  }
0xa4: {  	[sflag:s21] =	ssyncadd.s32 $0xFFFFFFB0  }
.Ltmp0:
0xa5: {  	_ =	swait.ge [sflag:s22], $0x50;
	(pc) =	sbr.rel @p1 .LBB2_2-.Ltmp0, $4  }
0xa6: {  	[sflag:s22] =	ssyncset.done $0x0  }
0xa7: {  	[sflag:s22] =	ssyncadd.s32 $0xFFFFFFB0  }
0xa8: {  	_ =	swait.ge [sflag:s23], $0x50  }
0xa9: {  	s30 =	smov.u32 s26;
	s29 =	sshra.s32 s28, $0x2;
	[sflag:s23] =	ssyncset.done $0x0  }
0xaa: {  	s26 =	sadd.s32 $0x280, s29;
	[sflag:s23] =	ssyncadd.s32 $0xFFFFFFB0  }
0xab: {  	[spmem:s2] =	stream.indirect.scatter.add.f32 [tilespmem:s13], [sflag:$0x1], $0x1, s26, s12, $0xb8;
	[tilespmem:$0x5370] =	vst v63  }
0xac: {  	s28 =	sadd.s32 $0x2D0, s29  }
0xad: {  	[spmem:s2] =	stream.indirect.scatter.add.f32 [tilespmem:s13], [sflag:$0x2], $0x1, s28, s12, $0xb8;
	[tilespmem:$0x5370] =	vst v63  }
0xae: {  	s30 =	sadd.s32 $0x320, s29  }
0xaf: {  	[spmem:s2] =	stream.indirect.scatter.add.f32 [tilespmem:s13], [sflag:$0x3], $0x1, s30, s12, $0xb8;
	[tilespmem:$0x5370] =	vst v63  }
0xb0: {  	s31 =	sadd.s32 $0x370, s29  }
0xb1: {  	[spmem:s2] =	stream.indirect.scatter.add.f32 [tilespmem:s13], [sflag:$0x4], $0x1, s31, s12, $0xb8;
	[tilespmem:$0x5370] =	vst v63  }
0xb2: {  	s28 =	sadd.s32 $0x3C0, s29  }
0xb3: {  	[spmem:s2] =	stream.indirect.scatter.add.f32 [tilespmem:s13], [sflag:$0x5], $0x1, s28, s12, $0xb8;
	[tilespmem:$0x5370] =	vst v63  }
0xb4: {  	s30 =	sadd.s32 $0x410, s29  }
0xb5: {  	[spmem:s2] =	stream.indirect.scatter.add.f32 [tilespmem:s13], [sflag:$0x6], $0x1, s30, s12, $0xb8;
	[tilespmem:$0x5370] =	vst v63  }
0xb6: {  	s31 =	sadd.s32 $0x460, s29  }
0xb7: {  	[spmem:s2] =	stream.indirect.scatter.add.f32 [tilespmem:s13], [sflag:$0x7], $0x1, s31, s12, $0xb8;
	[tilespmem:$0x5370] =	vst v63  }
0xb8: {  	s28 =	sadd.s32 $0x4B0, s29  }
0xb9: {  	[spmem:s2] =	stream.indirect.scatter.add.f32 [tilespmem:s13], [sflag:$0x8], $0x1, s28, s12, $0xb8;
	[tilespmem:$0x5370] =	vst v63  }
0xba: {  	s30 =	sadd.s32 $0x500, s29  }
0xbb: {  	[spmem:s2] =	stream.indirect.scatter.add.f32 [tilespmem:s13], [sflag:$0x9], $0x1, s30, s12, $0xb8;
	[tilespmem:$0x5370] =	vst v63  }
0xbc: {  	s31 =	sadd.s32 $0x550, s29  }
0xbd: {  	[spmem:s2] =	stream.indirect.scatter.add.f32 [tilespmem:s13], [sflag:$0xA], $0x1, s31, s12, $0xb8;
	[tilespmem:$0x5370] =	vst v63  }
0xbe: {  	_ =	swait.ge [sflag:s14], $0x50  }
0xbf: {  	[sflag:s14] =	ssyncset.done $0x0  }
0xc0: {  	[sflag:s14] =	ssyncadd.s32 $0xFFFFFFB0  }
0xc1: {  	_ =	swait.ge [sflag:s15], $0x50  }
0xc2: {  	[sflag:s15] =	ssyncset.done $0x0  }
0xc3: {  	[sflag:s15] =	ssyncadd.s32 $0xFFFFFFB0  }
0xc4: {  	_ =	swait.ge [sflag:s16], $0x50  }
0xc5: {  	[sflag:s16] =	ssyncset.done $0x0  }
0xc6: {  	[sflag:s16] =	ssyncadd.s32 $0xFFFFFFB0  }
0xc7: {  	_ =	swait.ge [sflag:s17], $0x50  }
0xc8: {  	[sflag:s17] =	ssyncset.done $0x0  }
0xc9: {  	[sflag:s17] =	ssyncadd.s32 $0xFFFFFFB0  }
0xca: {  	_ =	swait.ge [sflag:s18], $0x50  }
0xcb: {  	[sflag:s18] =	ssyncset.done $0x0  }
0xcc: {  	[sflag:s18] =	ssyncadd.s32 $0xFFFFFFB0  }
0xcd: {  	_ =	swait.ge [sflag:s19], $0x50  }
0xce: {  	[sflag:s19] =	ssyncset.done $0x0  }
0xcf: {  	[sflag:s19] =	ssyncadd.s32 $0xFFFFFFB0  }
0xd0: {  	_ =	swait.ge [sflag:s20], $0x50  }
0xd1: {  	[sflag:s20] =	ssyncset.done $0x0  }
0xd2: {  	[sflag:s20] =	ssyncadd.s32 $0xFFFFFFB0  }
0xd3: {  	_ =	swait.ge [sflag:s21], $0x50  }
0xd4: {  	[sflag:s21] =	ssyncset.done $0x0  }
0xd5: {  	[sflag:s21] =	ssyncadd.s32 $0xFFFFFFB0  }
0xd6: {  	_ =	swait.ge [sflag:s22], $0x50  }
0xd7: {  	[sflag:s22] =	ssyncset.done $0x0  }
0xd8: {  	[sflag:s22] =	ssyncadd.s32 $0xFFFFFFB0  }
0xd9: {  	_ =	swait.ge [sflag:s23], $0x50  }
0xda: {  	[sflag:s23] =	ssyncset.done $0x0  }
0xdb: {  	[sflag:s23] =	ssyncadd.s32 $0xFFFFFFB0  }
0xdc: {  	s26 =	simm.s32 @p0 $0x1FCB;
	[bflag:$0x0] =	sbarrier.arrive $0xFFFF  }
0xdd: {  	[hbm:s7], [sflag:s26] =	dma.local @p0 [spmem:s24], $0x32  }
0xde: {  	s26 =	simm.s32 @p0 $0xB  }
0xdf: {  	s25 =	sadd.s32 $0x1, s25;
	_ =	swait.ge @p0 [sflag:s26], $0x32  }
0xe0: {  	p1 =	sne.s32 s25, s8;
	s28 =	sshll.u32 @!p0 s1, $0x6;
	[sflag:s26] =	ssyncset.done @p0 $0x0  }
0xe1: {  	[sflag:s26] =	ssyncadd.s32 @p0 $0xFFFFFFCE;
	s26 =	sor.u32 @!p0 $0x1C0B, s28;
	s28 =	sshrl.u32 @!p0 s4, $0x3  }
0xe2: {  	[hbm:s6], [sflag:s26] =	dma.local @!p0 [spmem:s28], $0x50  }
.Ltmp1:
0xe3: {  	_ = 	snop;
	(pc) =	sbr.rel @p1 .LBB2_1-.Ltmp1, $4  }
0xe4: {  	s26 =	simm.s32 @!p0 $0xB  }
0xe5: {  	_ =	swait.ge @!p0 [sflag:s26], $0x50  }
0xe6: {  	[sflag:s26] =	ssyncset.done @!p0 $0x0  }
0xe7: {  	[sflag:s26] =	ssyncadd.s32 @!p0 $0xFFFFFFB0  }
0xe8: {  	_ =	sfence.sel $0x180000  }
0xe9: {  	[bflag:$0x0] =	sbarrier.arrive $0xFFFF  }
0xea: {  	p0 =	sne.s32 s1, $0x0;
	_ =	strace $0x90000047  }
0xeb: {  	s0 =	sadd.s32 @!p0 $0x100000, s0;
	[bflag:$0x2] =	sbarrier.arrive $0xFFFF  }
0xec: {  	[sflag:s0] =	ssyncadd.tile.s32 @!p0 $0x1;
	_ =	shalt  }
.Lfunc_end2:
_tile_overlayer_lowered:
.L_overlay_start_2:
0xed: {  	(tag) =	ssettag $0x2  }
0xee: {  	s0 =	rddreg [dreg:$0x0];
	s2 =	stileid.u32  }
0xef: {  	s1 =	rddreg [dreg:$0x1];
	p0 =	sne.s32 s2, $0x0  }
0xf0: {  	s3 =	rddreg [dreg:$0x2];
	[bflag:$0x3] =	sbarrier.arrive $0xFFFF;
	s2 =	simm.s32 @!p0 $0x1C0B  }
0xf1: {  	[timem:s3], [sflag:s2] =	dma.local @!p0 [hbm:s0], s1  }
0xf2: {  	s0 =	simm.s32 @!p0 $0xB  }
0xf3: {  	_ =	swait.ge @!p0 [sflag:s0], s1  }
0xf4: {  	s1 =	ssub.s32 @!p0 $0x0, s1;
	[sflag:s0] =	ssyncset.done @!p0 $0x0  }
0xf5: {  	[sflag:s0] =	ssyncadd.s32 @!p0 s1  }
0xf6: {  	[bflag:$0x3] =	sbarrier.arrive $0xFFFF  }
0xf7: {  	_ =	shalt  }

// kernel: kernel.9.cloned.1.call-start
scs
__scs_entry_jumppad:
0x0: {  	(pc) =	sbr.rel $0x88, $3  }
0x1: {  	(tag) =	ssettag $0x0;
	lr =	simm.s32 $0x1  }
0x2: {  	[smem:$0x3F9E] =	sst lr;
	_ =	strace $0xD0000000  }
0x3: {  	_ = 	snop  }
0x4: {  	_ = 	snop  }
0x5: {  	_ = 	snop  }
0x6: {  	_ = 	snop  }
0x7: {  	_ = 	snop  }
__scs_overlays_trampoline_lowered:
0x8: {  	[smem:$0x3FAD] =	sst s0  }
0x9: {  	[smem:$0x3FAE] =	sst s1  }
0xa: {  	[smem:$0x3FAF] =	sst s2  }
0xb: {  	[smem:$0x3FB0] =	sst s3  }
0xc: {  	[smem:$0x3FB1] =	sst s4  }
0xd: {  	[smem:$0x3FB2] =	sst s5  }
0xe: {  	[smem:$0x3FB3] =	sst s6  }
0xf: {  	[smem:$0x3FB4] =	sst s7  }
0x10: {  	[smem:$0x3FB5] =	sst s8  }
0x11: {  	[smem:$0x3FB6] =	sst s9;
	s0 =	simm.s32 @!p0 $0x0  }
0x12: {  	s1 =	sld [smem:$0x3F9C];
	s0 =	simm.s32 @p0 $0x1  }
0x13: {  	[smem:$0x3FB7] =	sst s0;
	s0 =	simm.s32 @!p1 $0x0  }
0x14: {  	s2 =	sld [smem:$0x3F9B];
	s0 =	simm.s32 @p1 $0x1  }
0x15: {  	[smem:$0x3FB8] =	sst s0;
	s0 =	simm.s32 @!p2 $0x0  }
0x16: {  	s3 =	sld [smem:$0x3FDB];
	s0 =	simm.s32 @p2 $0x1  }
0x17: {  	s4 =	simm.s32 $0x1BF5;
	[smem:$0x3FBA] =	sst s0  }
0x18: {  	s0 =	sld [smem:$0x3F9D];
	_ =	swait.ge [sflag:s4], $0x0  }
0x19: {  	s7 =	sld [smem:$0x3F9E]  }
0x1a: {  	s8 =	sadd.s32 $0xFFFFE003, lr  }
0x1b: {  	s9 =	sadd.s32 $0xFFFFFEF7, lr;
	s5 =	simm.s32 $0xFFFFFFFF;
	p2 =	slt.u32 s8, $0xFFFFF086  }
0x1c: {  	p1 =	slt.u32 s9, $0xF7A;
	s5 =	simm.s32 @!p2 $0x0  }
0x1d: {  	s5 =	simm.s32 @p1 $0x1;
	p0 =	seq.s32 s7, s2  }
0x1e: {  	s7 =	smul.u32 @!p0 $0xF7A, s2;
	p2 =	seq.s32 @!p0 s5, $0x0  }
0x1f: {  	s9 =	smul.u32 $0xF7A, s1;
	s8 =	simm.s32 @!p0 $0x1BF5;
	p2 =	por !p2, p0  }
0x20: {  	[sflag:s8] =	ssyncset.s32 @!p0 $0xFFFFF086;
	s6 =	sadd.s32 @!p0 s3, s7;
	s7 =	simm.s32 @!p0 $0x108  }
0x21: {  	s3 =	sadd.s32 s3, s9;
	s6 =	sadd.s32 @!p0 $0x88, s6;
	s7 =	simm.s32 @p2 $0x1082  }
0x22: {  	[simem:s7], [sflag:s8] =	dma.local @!p0 [hbm:s6], $0xF7A  }
0x23: {  	s9 =	sor.u32 $0xD0000000, s2;
	s6 =	simm.s32 $0x108;
	_ =	swait.ge @!p0 [sflag:s8], $0x0  }
0x24: {  	s3 =	sadd.s32 $0x88, s3;
	s6 =	simm.s32 @!p1 $0x1082;
	[sflag:s4] =	ssyncset.s32 $0xFFFFF086  }
0x25: {  	[simem:s6], [sflag:s4] =	dma.local [hbm:s3], $0xF7A  }
0x26: {  	[smem:$0x3F9E] =	sst s1;
	(tag) =	ssettag s2;
	_ =	strace s9  }
0x27: {  	s1 =	sld [smem:$0x3FAE]  }
0x28: {  	s2 =	sld [smem:$0x3FAF]  }
0x29: {  	s4 =	sld [smem:$0x3FB1]  }
0x2a: {  	p0 =	seq.s32 s5, $0x0;
	s5 =	sld [smem:$0x3FB2]  }
0x2b: {  	s6 =	sld [smem:$0x3FB3]  }
0x2c: {  	s7 =	sld [smem:$0x3FB4]  }
0x2d: {  	s3 =	simm.s32 $0x108;
	s8 =	sld [smem:$0x3FB5]  }
0x2e: {  	s3 =	simm.s32 @!p0 $0x1082;
	s9 =	sld [smem:$0x3FB6]  }
0x2f: {  	lr =	sadd.s32 s0, s3;
	s0 =	sld [smem:$0x3FAD]  }
0x30: {  	s3 =	sld [smem:$0x3FB0]  }
0x31: {  	[smem:$0x3FB9] =	sst s10  }
0x32: {  	s10 =	sld [smem:$0x3FB7];
	_ =	sdelay $0x3  }
0x33: {  	p0 =	seq.s32 s10, $0x1;
	s10 =	sld [smem:$0x3FB9];
	_ =	sdelay $0x3  }
0x34: {  	[smem:$0x3FB9] =	sst s10  }
0x35: {  	s10 =	sld [smem:$0x3FB8];
	_ =	sdelay $0x3  }
0x36: {  	p1 =	seq.s32 s10, $0x1;
	s10 =	sld [smem:$0x3FB9];
	_ =	sdelay $0x3  }
0x37: {  	[smem:$0x3FB9] =	sst s10  }
0x38: {  	s10 =	sld [smem:$0x3FBA]  }
0x39: {  	_ = 	snop;
	(pc) =	sbr.ind lr, $3  }
0x3a: {  	_ = 	snop  }
0x3b: {  	_ = 	snop  }
0x3c: {  	p2 =	seq.s32 s10, $0x1;
	s10 =	sld [smem:$0x3FB9]  }
0x3d: {  	_ =	shalt  }
0x3e: {  	_ =	shalt  }
0x3f: {  	_ =	shalt  }
0x40: {  	_ =	shalt  }
0x41: {  	_ =	shalt  }
0x42: {  	_ =	shalt  }
0x43: {  	_ =	shalt  }
0x44: {  	_ =	shalt  }
0x45: {  	_ =	shalt  }
0x46: {  	_ =	shalt  }
0x47: {  	_ =	shalt  }
0x48: {  	_ =	shalt  }
0x49: {  	_ =	shalt  }
0x4a: {  	_ =	shalt  }
0x4b: {  	_ =	shalt  }
0x4c: {  	_ =	shalt  }
0x4d: {  	_ =	shalt  }
0x4e: {  	_ =	shalt  }
0x4f: {  	_ =	shalt  }
0x50: {  	_ =	shalt  }
0x51: {  	_ =	shalt  }
0x52: {  	_ =	shalt  }
0x53: {  	_ =	shalt  }
0x54: {  	_ =	shalt  }
0x55: {  	_ =	shalt  }
0x56: {  	_ =	shalt  }
0x57: {  	_ =	shalt  }
0x58: {  	_ =	shalt  }
0x59: {  	_ =	shalt  }
0x5a: {  	_ =	shalt  }
0x5b: {  	_ =	shalt  }
0x5c: {  	_ =	shalt  }
0x5d: {  	_ =	shalt  }
0x5e: {  	_ =	shalt  }
0x5f: {  	_ =	shalt  }
0x60: {  	_ =	shalt  }
0x61: {  	_ =	shalt  }
0x62: {  	_ =	shalt  }
0x63: {  	_ =	shalt  }
0x64: {  	_ =	shalt  }
0x65: {  	_ =	shalt  }
0x66: {  	_ =	shalt  }
0x67: {  	_ =	shalt  }
0x68: {  	_ =	shalt  }
0x69: {  	_ =	shalt  }
0x6a: {  	_ =	shalt  }
0x6b: {  	_ =	shalt  }
0x6c: {  	_ =	shalt  }
0x6d: {  	_ =	shalt  }
0x6e: {  	_ =	shalt  }
0x6f: {  	_ =	shalt  }
0x70: {  	_ =	shalt  }
0x71: {  	_ =	shalt  }
0x72: {  	_ =	shalt  }
0x73: {  	_ =	shalt  }
0x74: {  	_ =	shalt  }
0x75: {  	_ =	shalt  }
0x76: {  	_ =	shalt  }
0x77: {  	_ =	shalt  }
0x78: {  	_ =	shalt  }
0x79: {  	_ =	shalt  }
0x7a: {  	_ =	shalt  }
0x7b: {  	_ =	shalt  }
0x7c: {  	_ =	shalt  }
0x7d: {  	_ =	shalt  }
0x7e: {  	_ =	shalt  }
0x7f: {  	_ =	shalt  }
0x80: {  	_ =	shalt  }
0x81: {  	_ =	shalt  }
0x82: {  	_ =	shalt  }
0x83: {  	_ =	shalt  }
0x84: {  	_ =	shalt  }
0x85: {  	_ =	shalt  }
0x86: {  	_ =	shalt  }
0x87: {  	_ =	shalt  }
.Lfunc_end0:
.L_simem_size_0:
called_computation.1_lowered:
.L_overlay_start_0:
0x88: {  	s2 =	sld [smem:$0x3FD9]  }
0x89: {  	s3 =	sld [smem:$0x3FFE];
	_ =	sdelay $0x1  }
0x8a: {  	s1 =	srdreg.scid  }
0x8b: {  	s0 =	sand.u32 $0x1, s1  }
0x8c: {  	s17 =	sshll.u32 s0, $0xA;
	s2 =	sadd.s32 s3, s2  }
0x8d: {  	s2 =	sadd.s32 s2, s17  }
0x8e: {  	[smem:$0x3FC5] =	sst s2  }
0x8f: {  	_ = 	snop  }
0x90: {  	s2 =	sld [smem:$0x3FD0];
	(tm) =	ssettm $0x1  }
0x91: {  	s18 =	sld [smem:$0x3FFB];
	_ =	sdelay $0x3  }
0x92: {  	_ =	strace s18  }
0x93: {  	s3 =	sld [smem:$0x3FFC];
	_ =	sdelay $0x3  }
0x94: {  	_ =	strace s3  }
0x95: {  	s3 =	sld [smem:$0x3FFD];
	_ =	sdelay $0x3  }
0x96: {  	_ =	strace s3  }
0x97: {  	_ =	strace $0x8FFFFFFF  }
0x98: {  	s19 =	sld [smem:$0x3FDB];
	_ =	sdelay $0x1  }
0x99: {  	s4 =	simm.s32 $_scs_section_size  }
0x9a: {  	s5 =	simm.s32 $_size__tile_overlayer_lowered;
	s6 =	simm.s32 $_tile_overlayer_lowered  }
0x9b: {  	s22 =	simm.s32 $0x1BFF;
	s21 =	sshll.u32 s6, $0x1;
	s3 =	sadd.s32 s4, s19  }
0x9c: {  	s7 =	simm.s32 $0x0;
	s20 =	sshll.u32 s5, $0x1;
	s5 =	sadd.s32 s21, s3  }
0x9d: {  	[timem:s7], [sflag:s22] =	dma.local [hbm:s5], s20  }
0x9e: {  	_ =	swait.ge [sflag:s22], s20  }
0x9f: {  	s4 =	ssub.s32 $0x0, s20;
	[sflag:s22] =	ssyncset.done $0x0  }
0xa0: {  	[sflag:s22] =	ssyncadd.s32 s4;
	_ =	sdelay $0x1  }
0xa1: {  	s23 =	simm.s32 $0x1B8B  }
0xa2: {  	_ =	swait.ge [sflag:s23], $0x1  }
0xa3: {  	[sflag:s23] =	ssyncset.done $0x0  }
0xa4: {  	s25 =	simm.s32 $0x1B8E;
	s24 =	sld [smem:$0x3FFE];
	[sflag:s23] =	ssyncadd.s32 $0xFFFFFFFF  }
0xa5: {  	s26 =	simm.s32 $execute0_lowered;
	[smem:$0x3FD2] =	sst s25  }
0xa6: {  	s5 =	sshll.u32 s26, $0x1;
	_ =	strace $0x80000049;
	[dreg:$0x1] =	wrdreg $0xFFFFFFFF  }
0xa7: {  	s28 =	simm.s32 $_size_execute0_lowered;
	s3 =	sadd.s32 s3, s5;
	[dreg:$0x0] =	wrdreg $0x0  }
0xa8: {  	s5 =	sshll.u32 s28, $0x1;
	[dreg:$0x2] =	wrdreg s3  }
0xa9: {  	[dreg:$0x3] =	wrdreg s5  }
0xaa: {  	[dreg:$0x4] =	wrdreg $0xC0  }
0xab: {  	_ =	task [dreg:s7], $0x5FFFF  }
0xac: {  	[dreg:$0x1] =	wrdreg $0xFFFFFFFF  }
0xad: {  	[dreg:$0x0] =	wrdreg $0x60  }
0xae: {  	[dreg:$0x2] =	wrdreg s2  }
0xaf: {  	[dreg:$0x3] =	wrdreg s24  }
0xb0: {  	[dreg:$0x4] =	wrdreg $0x0  }
0xb1: {  	[dreg:$0x5] =	wrdreg $0x9  }
0xb2: {  	_ =	task.clear_ibuf [dreg:s7], $0x6FFFF;
	_ =	strace $0x90000049  }
0xb3: {  	s29 =	simm.s32 $0x9;
	_ =	strace $0x8000004B  }
0xb4: {  	_ =	swait.ge [sflag:s29], $0x1  }
0xb5: {  	[sflag:s29] =	ssyncadd.s32 $0xFFFFFFFF  }
0xb6: {  	_ =	strace $0x9000004B  }
0xb7: {  	_ =	sfence  }
0xb8: {  	s30 =	sld [smem:$0x0];
	_ =	sdelay $0x2  }
0xb9: {  	s31 =	sshll.u32 s1, $0xD;
	s1 =	sshrl.u32 s1, $0x2  }
0xba: {  	s3 =	sand.u32 $0x4000, s31;
	s1 =	sadd.s32 s1, s30  }
0xbb: {  	s0 =	sor.u32 s3, s0;
	s1 =	sshll.u32 s1, $0x11  }
0xbc: {  	s0 =	sor.u32 s1, s0  }
0xbd: {  	s0 =	sadd.s32 $0x8F2B, s0  }
0xbe: {  	[sflag:s0] =	ssyncadd.remote.s32 $0x1  }
0xbf: {  	_ =	sfence.sel $0xFFFF  }
0xc0: {  	[dreg:$0x0] =	wrdreg $0xFFFFFFFF;
	(pc) =	sbr.abs _section_cstart, $3  }
0xc1: {  	[dreg:$0x1] =	wrdreg $0xFFFFFFFF  }
0xc2: {  	_ =	task.clear_ibuf [dreg:s7], $0x2FFFF;
	_ =	strace $0x9FFFFFFF  }
0xc3: {  	(tm) =	ssettm $0x7FFFFFFF  }
tec
execute0_lowered:
.L_overlay_start_1:
0x0: {  	(tag) =	ssettag $0x1  }
0x1: {  	s1 =	rddreg [dreg:$0x0]  }
0x2: {  	s0 =	srdreg.scid;
	s2 =	rddreg [dreg:$0x1]  }
0x3: {  	s10 =	stileid.u32;
	s3 =	rddreg [dreg:$0x2];
	s4 =	simm.s32 $0x0  }
0x4: {  	s13 =	simm.s32 $0x13880;
	s14 =	simm.s32 $0x7;
	s15 =	simm.s32 $0x15F90  }
0x5: {  	s16 =	simm.s32 $0x1;
	s17 =	simm.s32 $0x50;
	s18 =	simm.s32 $0x186A0  }
0x6: {  	s20 =	simm.s32 $0x1AEA0;
	s22 =	simm.s32 $0x1D6A0;
	s23 =	simm.s32 $0x2  }
0x7: {  	s25 =	simm.s32 $0x3;
	s28 =	simm.s32 $0x4;
	s6 =	smul.u32 $0x2710, s10  }
0x8: {  	s29 =	simm.s32 $0x5;
	s0 =	sand.u32 $0x1, s0;
	s7 =	smul.u32 $0x13880, s10  }
0x9: {  	s30 =	simm.s32 $0x6;
	s19 =	simm.s32 $0x18650;
	s5 =	smul.u32 $0x27100, s0  }
0xa: {  	[smem:$0x7FF] =	sst s4;
	s31 =	smul.u32 $0x138800, s0;
	s0 =	ssub.s32 $0x2, s0  }
0xb: {  	s21 =	simm.s32 $0x0;
	_ =	strace $0x8000004A;
	s8 =	sshrl.u32 s0, $0x1  }
0xc: {  	s12 =	sadd.s32 s7, s3;
	s5 =	sadd.s32 s6, s5;
	s6 =	sadd.s32 s7, s31  }
0xd: {  	s0 =	ssub.s32 s0, s8;
	s12 =	sshrl.u32 s12, $0x3;
	s5 =	sshrl.u32 s5, $0x3  }
0xe: {  	s6 =	sshrl.u32 s6, $0x3;
	s11 =	smax.u32 s0, $0x1;
	s9 =	sadd.s32 s5, s2  }
0xf: {  	s5 =	sadd.s32 $0x15200, s2;
	s2 =	sadd.s32 s6, s2;
	s6 =	sshll.u32 s10, $0x6  }
0x10: {  	s0 =	simm.s32 $0x15F40;
	s7 =	sor.u32 $0x1C01, s6;
	s8 =	sadd.s32 $0x1800, s9  }
0x11: {  	s9 =	sadd.s32 $0xB440, s9;
	s10 =	sadd.s32 $0x17A00, s2;
	s2 =	simm.s32 $0x18600  }
.LBB2_1:
0x12: {  	[spmem:s12], [sflag:s7] =	dma.local [hbm:s5], $0x2710  }
0x13: {  	[tilespmem:s13], [sflag:$0x7] =	stream.linear.gather [hbm4b:s8+s4], $0x2710, $0x38;
	[tilespmem:$0x1FEA0] =	vst v63  }
0x14: {  	_ =	swait.ge [sflag:s14], $0x2710  }
0x15: {  	[sflag:s14] =	ssyncset.done $0x0  }
0x16: {  	[sflag:s14] =	ssyncadd.s32 $0xFFFFD8F0  }
0x17: {  	[tilespmem:s15], [sflag:$0x7] =	stream.linear.gather [hbm4b:s9+s4], $0x2710, $0x38;
	[tilespmem:$0x1FEA0] =	vst v63  }
0x18: {  	_ =	swait.ge [sflag:s14], $0x2710  }
0x19: {  	[sflag:s14] =	ssyncset.done $0x0  }
0x1a: {  	[sflag:s14] =	ssyncadd.s32 $0xFFFFD8F0  }
0x1b: {  	_ =	swait.ge [sflag:s16], $0x2710  }
0x1c: {  	[sflag:s16] =	ssyncset.done $0x0  }
0x1d: {  	[sflag:s16] =	ssyncadd.s32 $0xFFFFD8F0  }
0x1e: {  	[bflag:$0x0] =	sbarrier.arrive $0xFFFF  }
0x1f: {  	[tilespmem:s18], [sflag:$0x1] =	stream.indirect.gather [hbm4b:s1+s17], $0x80, s13, s17, $0xb8;
	[tilespmem:$0x1FEA0] =	vst v63  }
0x20: {  	s24 =	simm.s32 $0x138D0  }
0x21: {  	[tilespmem:s20], [sflag:$0x2] =	stream.indirect.gather [hbm4b:s1+s17], $0x80, s24, s17, $0xb8;
	[tilespmem:$0x1FEA0] =	vst v63  }
0x22: {  	s26 =	simm.s32 $0x13920  }
0x23: {  	[tilespmem:s22], [sflag:$0x3] =	stream.indirect.gather [hbm4b:s1+s17], $0x80, s26, s17, $0xb8;
	[tilespmem:$0x1FEA0] =	vst v63  }
0x24: {  	_ =	swait.ge [sflag:s16], $0x2800  }
0x25: {  	[sflag:s16] =	ssyncset.done $0x0  }
0x26: {  	[sflag:s16] =	ssyncadd.s32 $0xFFFFD800  }
0x27: {  	[spmem:s3] =	stream.indirect.scatter.add.f32 [tilespmem:s18], [sflag:$0x4], $0x80, s15, s17, $0xb8;
	[tilespmem:$0x1FEA0] =	vst v63  }
0x28: {  	_ =	swait.ge [sflag:s23], $0x2800  }
0x29: {  	[sflag:s23] =	ssyncset.done $0x0  }
0x2a: {  	s31 =	simm.s32 $0x15FE0;
	[sflag:s23] =	ssyncadd.s32 $0xFFFFD800  }
0x2b: {  	[spmem:s3] =	stream.indirect.scatter.add.f32 [tilespmem:s20], [sflag:$0x5], $0x80, s31, s17, $0xb8;
	[tilespmem:$0x1FEA0] =	vst v63  }
0x2c: {  	_ =	swait.ge [sflag:s25], $0x2800  }
0x2d: {  	[sflag:s25] =	ssyncset.done $0x0  }
0x2e: {  	s26 =	simm.s32 $0x16030;
	[sflag:s25] =	ssyncadd.s32 $0xFFFFD800  }
0x2f: {  	[spmem:s3] =	stream.indirect.scatter.add.f32 [tilespmem:s22], [sflag:$0x6], $0x80, s26, s17, $0xb8;
	[tilespmem:$0x1FEA0] =	vst v63  }
0x30: {  	_ =	swait.ge [sflag:s28], $0x2800  }
0x31: {  	[sflag:s28] =	ssyncset.done $0x0  }
0x32: {  	s31 =	simm.s32 $0x13970;
	[sflag:s28] =	ssyncadd.s32 $0xFFFFD800  }
0x33: {  	[tilespmem:s18], [sflag:$0x1] =	stream.indirect.gather [hbm4b:s1+s17], $0x80, s31, s17, $0xb8;
	[tilespmem:$0x1FEA0] =	vst v63  }
0x34: {  	_ =	swait.ge [sflag:s29], $0x2800  }
0x35: {  	[sflag:s29] =	ssyncset.done $0x0  }
0x36: {  	s26 =	simm.s32 $0x139C0;
	[sflag:s29] =	ssyncadd.s32 $0xFFFFD800  }
0x37: {  	[tilespmem:s20], [sflag:$0x2] =	stream.indirect.gather [hbm4b:s1+s17], $0x80, s26, s17, $0xb8;
	[tilespmem:$0x1FEA0] =	vst v63  }
0x38: {  	_ =	swait.ge [sflag:s30], $0x2800  }
0x39: {  	[sflag:s30] =	ssyncset.done $0x0  }
0x3a: {  	s31 =	simm.s32 $0x13A10;
	[sflag:s30] =	ssyncadd.s32 $0xFFFFD800  }
0x3b: {  	[tilespmem:s22], [sflag:$0x3] =	stream.indirect.gather [hbm4b:s1+s17], $0x80, s31, s17, $0xb8;
	[tilespmem:$0x1FEA0] =	vst v63  }
0x3c: {  	_ =	swait.ge [sflag:s16], $0x2800  }
0x3d: {  	[sflag:s16] =	ssyncset.done $0x0  }
0x3e: {  	s26 =	simm.s32 $0x16080;
	[sflag:s16] =	ssyncadd.s32 $0xFFFFD800  }
0x3f: {  	[spmem:s3] =	stream.indirect.scatter.add.f32 [tilespmem:s18], [sflag:$0x4], $0x80, s26, s17, $0xb8;
	[tilespmem:$0x1FEA0] =	vst v63  }
0x40: {  	_ =	swait.ge [sflag:s23], $0x2800  }
0x41: {  	[sflag:s23] =	ssyncset.done $0x0  }
0x42: {  	s31 =	simm.s32 $0x160D0;
	[sflag:s23] =	ssyncadd.s32 $0xFFFFD800  }
0x43: {  	[spmem:s3] =	stream.indirect.scatter.add.f32 [tilespmem:s20], [sflag:$0x5], $0x80, s31, s17, $0xb8;
	[tilespmem:$0x1FEA0] =	vst v63  }
0x44: {  	_ =	swait.ge [sflag:s25], $0x2800  }
0x45: {  	[sflag:s25] =	ssyncset.done $0x0  }
0x46: {  	s24 =	simm.s32 $0x3C0;
	s26 =	simm.s32 $0x16120;
	[sflag:s25] =	ssyncadd.s32 $0xFFFFD800  }
.LBB2_2:
0x47: {  	[spmem:s3] =	stream.indirect.scatter.add.f32 [tilespmem:s22], [sflag:$0x6], $0x80, s26, s17, $0xb8;
	[tilespmem:$0x1FEA0] =	vst v63  }
0x48: {  	s26 =	smov.u32 s24  }
0x49: {  	p0 =	sne.s32 s24, $0x9240;
	s24 =	sadd.s32 $0x3C0, s24;
	_ =	swait.ge [sflag:s28], $0x2800  }
0x4a: {  	s26 =	sshra.s32 s26, $0x2;
	[sflag:s28] =	ssyncset.done $0x0  }
0x4b: {  	s31 =	sadd.s32 $0x13970, s26;
	[sflag:s28] =	ssyncadd.s32 $0xFFFFD800  }
0x4c: {  	[tilespmem:s18], [sflag:$0x1] =	stream.indirect.gather [hbm4b:s1+s17], $0x80, s31, s17, $0xb8;
	[tilespmem:$0x1FEA0] =	vst v63  }
0x4d: {  	_ =	swait.ge [sflag:s29], $0x2800  }
0x4e: {  	[sflag:s29] =	ssyncset.done $0x0  }
0x4f: {  	s31 =	sadd.s32 $0x139C0, s26;
	[sflag:s29] =	ssyncadd.s32 $0xFFFFD800  }
0x50: {  	[tilespmem:s20], [sflag:$0x2] =	stream.indirect.gather [hbm4b:s1+s17], $0x80, s31, s17, $0xb8;
	[tilespmem:$0x1FEA0] =	vst v63  }
0x51: {  	_ =	swait.ge [sflag:s30], $0x2800  }
0x52: {  	[sflag:s30] =	ssyncset.done $0x0  }
0x53: {  	s31 =	sadd.s32 $0x13A10, s26;
	[sflag:s30] =	ssyncadd.s32 $0xFFFFD800  }
0x54: {  	[tilespmem:s22], [sflag:$0x3] =	stream.indirect.gather [hbm4b:s1+s17], $0x80, s31, s17, $0xb8;
	[tilespmem:$0x1FEA0] =	vst v63  }
0x55: {  	_ =	swait.ge [sflag:s16], $0x2800  }
0x56: {  	[sflag:s16] =	ssyncset.done $0x0  }
0x57: {  	s31 =	sadd.s32 $0x16080, s26;
	[sflag:s16] =	ssyncadd.s32 $0xFFFFD800  }
0x58: {  	[spmem:s3] =	stream.indirect.scatter.add.f32 [tilespmem:s18], [sflag:$0x4], $0x80, s31, s17, $0xb8;
	[tilespmem:$0x1FEA0] =	vst v63  }
0x59: {  	_ =	swait.ge [sflag:s23], $0x2800  }
0x5a: {  	[sflag:s23] =	ssyncset.done $0x0  }
.Ltmp0:
0x5b: {  	s31 =	sadd.s32 $0x160D0, s26;
	[sflag:s23] =	ssyncadd.s32 $0xFFFFD800;
	(pc) =	sbr.rel @p0 .LBB2_2-.Ltmp0, $4  }
0x5c: {  	[spmem:s3] =	stream.indirect.scatter.add.f32 [tilespmem:s20], [sflag:$0x5], $0x80, s31, s17, $0xb8;
	[tilespmem:$0x1FEA0] =	vst v63  }
0x5d: {  	_ =	swait.ge [sflag:s25], $0x2800  }
0x5e: {  	[sflag:s25] =	ssyncset.done $0x0  }
0x5f: {  	s26 =	sadd.s32 $0x16120, s26;
	[sflag:s25] =	ssyncadd.s32 $0xFFFFD800  }
0x60: {  	[spmem:s3] =	stream.indirect.scatter.add.f32 [tilespmem:s22], [sflag:$0x6], $0x80, s26, s17, $0xb8;
	[tilespmem:$0x1FEA0] =	vst v63  }
0x61: {  	_ =	swait.ge [sflag:s28], $0x2800  }
0x62: {  	[sflag:s28] =	ssyncset.done $0x0  }
0x63: {  	[sflag:s28] =	ssyncadd.s32 $0xFFFFD800  }
0x64: {  	_ =	swait.ge [sflag:s29], $0x2800  }
0x65: {  	[sflag:s29] =	ssyncset.done $0x0  }
0x66: {  	[sflag:s29] =	ssyncadd.s32 $0xFFFFD800  }
0x67: {  	_ =	swait.ge [sflag:s30], $0x2800  }
0x68: {  	[sflag:s30] =	ssyncset.done $0x0  }
0x69: {  	s24 =	simm.s32 $0x15EF0;
	[sflag:s30] =	ssyncadd.s32 $0xFFFFD800  }
0x6a: {  	[tilespmem:s18], [sflag:$0x7] =	stream.indirect.gather [hbm4b:s1+s17], $0x80, s24, s17, $0xb8;
	[tilespmem:$0x1FEA0] =	vst v63  }
0x6b: {  	_ =	swait.ge [sflag:s14], $0x2800  }
0x6c: {  	[sflag:s14] =	ssyncset.done $0x0  }
0x6d: {  	[sflag:s14] =	ssyncadd.s32 $0xFFFFD800  }
0x6e: {  	[spmem:s3] =	stream.indirect.scatter.add.f32 [tilespmem:s18], [sflag:$0x7], $0x80, s2, s17, $0xb8;
	[tilespmem:$0x1FEA0] =	vst v63  }
0x6f: {  	_ =	swait.ge [sflag:s14], $0x2800  }
0x70: {  	[sflag:s14] =	ssyncset.done $0x0  }
0x71: {  	[sflag:s14] =	ssyncadd.s32 $0xFFFFD800  }
0x72: {  	[tilespmem:s18], [sflag:$0x7] =	stream.indirect.gather [hbm4b:s1+s17], $0x80, s0, s17, $0xb8;
	[tilespmem:$0x1FEA0] =	vst v63  }
0x73: {  	_ =	swait.ge [sflag:s14], $0x2800  }
0x74: {  	[sflag:s14] =	ssyncset.done $0x0  }
0x75: {  	[sflag:s14] =	ssyncadd.s32 $0xFFFFD800  }
0x76: {  	[spmem:s3] =	stream.indirect.scatter.add.f32 [tilespmem:s18], [sflag:$0x7], $0x80, s19, s17, $0xb8;
	[tilespmem:$0x1FEA0] =	vst v63  }
0x77: {  	_ =	swait.ge [sflag:s14], $0x2800  }
0x78: {  	s21 =	sadd.s32 $0x1, s21;
	[sflag:s14] =	ssyncset.done $0x0  }
0x79: {  	p0 =	sne.s32 s21, s11;
	[sflag:s14] =	ssyncadd.s32 $0xFFFFD800  }
.Ltmp1:
0x7a: {  	s31 =	sor.u32 $0x1C07, s6;
	[bflag:$0x0] =	sbarrier.arrive $0xFFFF;
	(pc) =	sbr.rel @p0 .LBB2_1-.Ltmp1, $4  }
0x7b: {  	[hbm:s10], [sflag:s31] =	dma.local [spmem:s12], $0x2710  }
0x7c: {  	_ =	swait.ge [sflag:s14], $0x2710  }
0x7d: {  	[sflag:s14] =	ssyncset.done $0x0  }
0x7e: {  	[sflag:s14] =	ssyncadd.s32 $0xFFFFD8F0  }
0x7f: {  	_ =	sfence.sel $0x180000  }
0x80: {  	[bflag:$0x0] =	sbarrier.arrive $0xFFFF  }
0x81: {  	_ =	strace $0x9000004A  }
0x82: {  	s0 =	stileid.u32;
	[bflag:$0x2] =	sbarrier.arrive $0xFFFF  }
0x83: {  	p0 =	sne.s32 s0, $0x0;
	s0 =	rddreg [dreg:$0x3]  }
0x84: {  	s0 =	sadd.s32 @!p0 $0x100000, s0  }
0x85: {  	[sflag:s0] =	ssyncadd.tile.s32 @!p0 $0x1;
	_ =	shalt  }
.Lfunc_end2:
_tile_overlayer_lowered:
.L_overlay_start_2:
0x86: {  	(tag) =	ssettag $0x2  }
0x87: {  	s0 =	rddreg [dreg:$0x0];
	s2 =	stileid.u32  }
0x88: {  	s1 =	rddreg [dreg:$0x1];
	p0 =	sne.s32 s2, $0x0  }
0x89: {  	s3 =	rddreg [dreg:$0x2];
	[bflag:$0x3] =	sbarrier.arrive $0xFFFF;
	s2 =	simm.s32 @!p0 $0x1C07  }
0x8a: {  	[timem:s3], [sflag:s2] =	dma.local @!p0 [hbm:s0], s1  }
0x8b: {  	s0 =	simm.s32 @!p0 $0x7  }
0x8c: {  	_ =	swait.ge @!p0 [sflag:s0], s1  }
0x8d: {  	s1 =	ssub.s32 @!p0 $0x0, s1;
	[sflag:s0] =	ssyncset.done @!p0 $0x0  }
0x8e: {  	[sflag:s0] =	ssyncadd.s32 @!p0 s1  }
0x8f: {  	[bflag:$0x3] =	sbarrier.arrive $0xFFFF  }
0x90: {  	_ =	shalt  }

</sc_bundles>
